<compile_context>
chip_gen: v7x
topology: tpu7x:2x2x1
jax: 0.10.2.dev20260603
libtpu: 0.0.44.dev20260713+nightly
codegen_flags: <defaults>
</compile_context>

<pallas_src>
import functools

import jax
import jax.numpy as jnp
import numpy as np
from jax import lax
from jax.experimental import pallas as pl
from jax.experimental.pallas import tpu as pltpu
from jax.experimental.pallas import tpu_sc as plsc

B = 4096
L = 50
VOCAB = 100000
D = 128

NC = 2
NS = 16
NW = NC * NS
NQ = 4
QSETS = B // NQ
BPW = QSETS // NW


SLAB = 128
NA = QSETS // SLAB
NB = NW // NA
LQ = -(-L // NB)
assert LQ % 2 == 1


def _sc_gather_body(qoff, table_hbm, xt_hbm, e_hbm,
                    slab_v, rows_a, rows_b, sga, sgb, swa, swb):
    wid = lax.axis_index("s") * NC + lax.axis_index("c")
    aw = lax.rem(wid, NA)
    bw = wid // NA
    setbase = aw * SLAB
    lbase = bw * LQ
    lim = jnp.minimum(lbase + LQ, L)
    pltpu.sync_copy(xt_hbm.at[:, pl.ds(qoff + setbase, SLAB)], slab_v)

    def fire_g(l, buf, sem):
        @pl.when(l < lim)
        def _():
            pltpu.async_copy(table_hbm.at[slab_v.at[l]], buf, sem)

    def wait_g(l, buf, sem):
        @pl.when(l < lim)
        def _():
            pltpu.make_async_copy(table_hbm.at[slab_v.at[l]], buf, sem).wait()

    def fire_w(l, buf, sem):
        @pl.when(l < lim)
        def _():
            pltpu.async_copy(buf, e_hbm.at[l, pl.ds(setbase, SLAB)], sem)

    def wait_w(l, buf, sem):
        @pl.when(l < lim)
        def _():
            pltpu.make_async_copy(buf,
                                  e_hbm.at[l, pl.ds(setbase, SLAB)],
                                  sem).wait()

    fire_g(lbase, rows_a, sga)
    fire_g(lbase + 1, rows_b, sgb)

    def pair(i, carry):
        la = lbase + 2 * i
        lb = la + 1
        wait_g(la, rows_a, sga)
        fire_w(la, rows_a, swa)
        wait_g(lb, rows_b, sgb)
        fire_w(lb, rows_b, swb)
        wait_w(la, rows_a, swa)
        fire_g(la + 2, rows_a, sga)
        wait_w(lb, rows_b, swb)
        fire_g(lb + 2, rows_b, sgb)
        return carry

    lax.fori_loop(0, LQ // 2, pair, 0)
    lt = lbase + LQ - 1
    wait_g(lt, rows_a, sga)
    fire_w(lt, rows_a, swa)
    wait_w(lt, rows_a, swa)


def _sc_gather(emb_table, xt, q):
    return pl.kernel(
        functools.partial(_sc_gather_body, q * QSETS),
        out_type=jax.ShapeDtypeStruct((L, QSETS, D), jnp.float32),
        mesh=plsc.VectorSubcoreMesh(core_axis_name="c", subcore_axis_name="s"),
        scratch_types=[
            pltpu.VMEM((L, SLAB), jnp.int32),
            pltpu.VMEM((SLAB, D), jnp.float32),
            pltpu.VMEM((SLAB, D), jnp.float32),
            pltpu.SemaphoreType.DMA,
            pltpu.SemaphoreType.DMA,
            pltpu.SemaphoreType.DMA,
            pltpu.SemaphoreType.DMA,
        ],
    )(emb_table, xt)


BT = 128
QBLOCKS = QSETS // BT


def _tc_compute(e_ref, w1_ref, w2_ref, o_ref):
    cdims = (((1,), (1,)), ((), ()))
    e3 = e_ref[...]
    m = jnp.max(e3, axis=0)
    e = e3.reshape(L * BT, D)
    m2 = lax.dot_general(m, w2_ref[...], cdims,
                         preferred_element_type=jnp.float32)
    e1 = lax.dot_general(e, w1_ref[...], cdims,
                         preferred_element_type=jnp.float32)
    c = e1.reshape(L, BT, D) + m2[None]
    o_ref[...] = 0.5 * jnp.tanh(0.5 * c) + 0.5


def _tc_body_first(e_ref, w1_ref, w2_ref, o_ref):
    _tc_compute(e_ref, w1_ref, w2_ref, o_ref)


def _tc_body_next(e_ref, w1_ref, w2_ref, o_prev_ref, o_ref):
    del o_prev_ref
    _tc_compute(e_ref, w1_ref, w2_ref, o_ref)


def _tc_stripe(e_q, W1, W2, q, o_prev):
    out_spec = pl.BlockSpec((L, BT, D), lambda i, q=q: (0, q * QBLOCKS + i, 0))
    in_specs = [
        pl.BlockSpec((L, BT, D), lambda i: (0, i, 0)),
        pl.BlockSpec((D, D), lambda i: (0, 0)),
        pl.BlockSpec((D, D), lambda i: (0, 0)),
    ]
    if o_prev is None:
        return pl.pallas_call(
            _tc_body_first,
            grid=(QBLOCKS,),
            in_specs=in_specs,
            out_specs=out_spec,
            out_shape=jax.ShapeDtypeStruct((L, B, D), jnp.float32),
        )(e_q, W1, W2)
    return pl.pallas_call(
        _tc_body_next,
        grid=(QBLOCKS,),
        in_specs=in_specs + [pl.BlockSpec(memory_space=pl.ANY)],
        out_specs=out_spec,
        out_shape=jax.ShapeDtypeStruct((L, B, D), jnp.float32),
        input_output_aliases={3: 0},
    )(e_q, W1, W2, o_prev)


def kernel(x, emb_table, W1, W2):
    xt = jnp.transpose(x.astype(jnp.int32), (1, 0))
    es = [_sc_gather(emb_table, xt, q) for q in range(NQ)]
    out = None
    for q in range(NQ):
        out = _tc_stripe(es[q], W1, W2, q, out)
    return jnp.transpose(out, (1, 0, 2))

# --- scband reference (transcript-rebuilt; emitter-appended) ---
"""Pipeline reference for scband-set-embedding-7069516169225 (READ-ONLY COPY).

The authoritative reference and input builder live on the scoring server;
editing this copy changes nothing except your own understanding.
"""

import jax, jax.numpy as jnp
import numpy as np

B = 4096
L = 50
VOCAB = 100000
D = 128

def setup_inputs(seed: int = 0) -> dict:
    key = jax.random.key(seed)
    k_idx, k_emb, k_w1, k_w2 = jax.random.split(key, 4)
    x = jax.random.randint(k_idx, (B, L), 0, VOCAB, dtype=jnp.int64)
    emb_table = jax.random.normal(k_emb, (VOCAB, D), dtype=jnp.float32)
    # nn.Linear(D, D, bias=False) weights have shape [out, in]
    W1 = jax.random.normal(k_w1, (D, D), dtype=jnp.float32) * (1.0 / np.sqrt(D))
    W2 = jax.random.normal(k_w2, (D, D), dtype=jnp.float32) * (1.0 / np.sqrt(D))
    return {"x": x, "emb_table": emb_table, "W1": W1, "W2": W2}

def reference(x, emb_table, W1, W2):
    # embedding lookup: [B, L, D]
    e = jnp.take(emb_table, x, axis=0)
    # max-pool over the set dimension, keepdim
    maxp = jnp.max(e, axis=1, keepdims=True)  # [B, 1, D]
    # fc1(e) + fc2(maxp); torch Linear: y = x @ W.T
    combo = jnp.einsum('bld,od->blo', e, W1) + jnp.einsum('bld,od->blo', maxp, W2)
    return jax.nn.sigmoid(combo)

if __name__ == "__main__":
    import jax
    _d = setup_inputs()
    print(jax.jit(kernel)(*tuple(_d.values())))

</pallas_src>

<mosaic_0001>
#map = affine_map<(d0, d1) -> (0, 0)>
#map1 = affine_map<(d0, d1) -> (0, 0, 0)>
module attributes {stable_mosaic.version = 14 : i64} {
  func.func @_sc_gather_body(%arg0: i32, %arg1: i32, %arg2: memref<100000x128xf32, #tpu.memory_space<hbm>>, %arg3: memref<50x4096xi32, #tpu.memory_space<hbm>>, %arg4: memref<50x1024x128xf32, #tpu.memory_space<hbm>>, %arg5: memref<50x128xi32, #tpu.memory_space<vmem>>, %arg6: memref<128x128xf32, #tpu.memory_space<vmem>>, %arg7: memref<128x128xf32, #tpu.memory_space<vmem>>, %arg8: memref<!tpu.dma_semaphore, #tpu.memory_space<semaphore_mem>>, %arg9: memref<!tpu.dma_semaphore, #tpu.memory_space<semaphore_mem>>, %arg10: memref<!tpu.dma_semaphore, #tpu.memory_space<semaphore_mem>>, %arg11: memref<!tpu.dma_semaphore, #tpu.memory_space<semaphore_mem>>) attributes {dimension_semantics = [#tpu.dimension_semantics<core_parallel>, #tpu.dimension_semantics<subcore_parallel>], iteration_bounds = array<i64: 2, 16>, scalar_prefetch = 0 : i64, scratch_operands = 7 : i64, tpu.core_type = #tpu.core_type<sc_vector_subcore>, window_params = [{transform_indices = #map}, {transform_indices = #map}, {transform_indices = #map1}]} {
    %mul3A = arith.constant 2 : i32
    %mul3A_0 = arith.muli %arg1, %mul3A : i32
    %add3A = arith.addi %mul3A_0, %arg0 : i32
    %rem3A = arith.constant 8 : i32
    %rem3A_1 = arith.remsi %add3A, %rem3A : i32
    %jit3A = arith.constant 8 : i32
    %div3A = arith.divsi %add3A, %jit3A : i32
    %sign3A = arith.constant 0 : i32
    %sign3A_2 = arith.cmpi sgt, %add3A, %sign3A : i32
    %sign3A_3 = arith.extui %sign3A_2 : i1 to i32
    %sign3A_4 = arith.constant 0 : i32
    %sign3A_5 = arith.cmpi slt, %add3A, %sign3A_4 : i32
    %sign3A_6 = arith.extui %sign3A_5 : i1 to i32
    %sign3A_7 = arith.subi %sign3A_3, %sign3A_6 : i32
    %sign3A_8 = arith.constant 0 : i32
    %sign3A_9 = arith.cmpi sgt, %jit3A, %sign3A_8 : i32
    %sign3A_10 = arith.extui %sign3A_9 : i1 to i32
    %sign3A_11 = arith.constant 0 : i32
    %sign3A_12 = arith.cmpi slt, %jit3A, %sign3A_11 : i32
    %sign3A_13 = arith.extui %sign3A_12 : i1 to i32
    %sign3A_14 = arith.subi %sign3A_10, %sign3A_13 : i32
    %ne3A = arith.cmpi ne, %sign3A_7, %sign3A_14 : i32
    %rem3A_15 = arith.remsi %add3A, %jit3A : i32
    %ne3A_16 = arith.constant 0 : i32
    %ne3A_17 = arith.cmpi ne, %rem3A_15, %ne3A_16 : i32
    %and3A = arith.andi %ne3A, %ne3A_17 : i1
    %sub3A = arith.constant 1 : i32
    %sub3A_18 = arith.subi %div3A, %sub3A : i32
    %select_n3A = arith.select %and3A, %sub3A_18, %div3A : i32
    %mul3A_19 = arith.constant 128 : i32
    %mul3A_20 = arith.muli %rem3A_1, %mul3A_19 : i32
    %mul3A_21 = arith.constant 13 : i32
    %mul3A_22 = arith.muli %select_n3A, %mul3A_21 : i32
    %add3A_23 = arith.constant 13 : i32
    %add3A_24 = arith.addi %mul3A_22, %add3A_23 : i32
    %min3A = arith.constant 50 : i32
    %min3A_25 = arith.minsi %add3A_24, %min3A : i32
    %add3A_26 = arith.constant 0 : i32
    %add3A_27 = arith.addi %add3A_26, %mul3A_20 : i32
    "tpu.region"() ({
      %run_scoped3A = tpu.sem_alloc : memref<!tpu.dma_semaphore, #tpu.memory_space<semaphore_mem>>
      %dma_start3A = arith.constant 0 : i32
      %dma_start3A_56 = tpu.memref_slice %arg3[%dma_start3A, %add3A_27] : memref<50x4096xi32, #tpu.memory_space<hbm>> -> memref<50x128xi32, #tpu.memory_space<hbm>>
      %dma_start3A_57 = arith.constant 0 : i32
      %dma_start3A_58 = tpu.memref_slice %arg3[%dma_start3A_57, %add3A_27] : memref<50x4096xi32, #tpu.memory_space<hbm>> -> memref<50x128xi32, #tpu.memory_space<hbm>>
      tpu.enqueue_dma source(%dma_start3A_58 : memref<50x128xi32, #tpu.memory_space<hbm>>) target(%arg5 : memref<50x128xi32, #tpu.memory_space<vmem>>) target_semaphore(%run_scoped3A : memref<!tpu.dma_semaphore, #tpu.memory_space<semaphore_mem>>)
      %dma_wait3A = arith.constant 0 : i32
      %dma_wait3A_59 = tpu.memref_slice %arg3[%dma_wait3A, %add3A_27] : memref<50x4096xi32, #tpu.memory_space<hbm>> -> memref<50x128xi32, #tpu.memory_space<hbm>>
      %dma_wait3A_60 = arith.constant 0 : i32
      %dma_wait3A_61 = tpu.memref_slice %arg3[%dma_wait3A_60, %add3A_27] : memref<50x4096xi32, #tpu.memory_space<hbm>> -> memref<50x128xi32, #tpu.memory_space<hbm>>
      tpu.wait_dma2 semaphore(%run_scoped3A : memref<!tpu.dma_semaphore, #tpu.memory_space<semaphore_mem>>) src(%dma_wait3A_61 : memref<50x128xi32, #tpu.memory_space<hbm>>) dst(%arg5 : memref<50x128xi32, #tpu.memory_space<vmem>>)
      tpu.yield
    }) : () -> ()
    %lt3A = arith.cmpi slt, %mul3A_22, %min3A_25 : i32
    %convert_element_type3A = arith.extui %lt3A : i1 to i32
    %cond3A = arith.constant 0 : i32
    %cond3A_28 = arith.cmpi ne, %convert_element_type3A, %cond3A : i32
    scf.if %cond3A_28 {
      %dma_start3A = arith.constant 0 : i32
      %dma_start3A_56 = tpu.memref_slice %arg5[%mul3A_22, %dma_start3A] : memref<50x128xi32, #tpu.memory_space<vmem>> -> memref<1x128xi32, #tpu.memory_space<vmem>>
      %dma_start3A_57 = tpu.memref_squeeze %dma_start3A_56 : memref<1x128xi32, #tpu.memory_space<vmem>> -> memref<128xi32, #tpu.memory_space<vmem>>
      %dma_start3A_58 = arith.constant 0 : i32
      %dma_start3A_59 = arith.constant 0 : i32
      %dma_start3A_60 = tpu.memref_slice %arg2[%dma_start3A_58, %dma_start3A_59] : memref<100000x128xf32, #tpu.memory_space<hbm>> -> memref<100000x128xf32, #tpu.memory_space<hbm>>
      tpu.enqueue_indirect_dma source(%dma_start3A_60 : memref<100000x128xf32, #tpu.memory_space<hbm>>) target(%arg6 : memref<128x128xf32, #tpu.memory_space<vmem>>) offsets(%dma_start3A_57 : memref<128xi32, #tpu.memory_space<vmem>>) semaphore(%arg8 : memref<!tpu.dma_semaphore, #tpu.memory_space<semaphore_mem>>)
    } else {
    }
    %add3A_29 = arith.constant 1 : i32
    %add3A_30 = arith.addi %mul3A_22, %add3A_29 : i32
    %lt3A_31 = arith.cmpi slt, %add3A_30, %min3A_25 : i32
    %convert_element_type3A_32 = arith.extui %lt3A_31 : i1 to i32
    %cond3A_33 = arith.constant 0 : i32
    %cond3A_34 = arith.cmpi ne, %convert_element_type3A_32, %cond3A_33 : i32
    scf.if %cond3A_34 {
      %dma_start3A = arith.constant 0 : i32
      %dma_start3A_56 = tpu.memref_slice %arg5[%add3A_30, %dma_start3A] : memref<50x128xi32, #tpu.memory_space<vmem>> -> memref<1x128xi32, #tpu.memory_space<vmem>>
      %dma_start3A_57 = tpu.memref_squeeze %dma_start3A_56 : memref<1x128xi32, #tpu.memory_space<vmem>> -> memref<128xi32, #tpu.memory_space<vmem>>
      %dma_start3A_58 = arith.constant 0 : i32
      %dma_start3A_59 = arith.constant 0 : i32
      %dma_start3A_60 = tpu.memref_slice %arg2[%dma_start3A_58, %dma_start3A_59] : memref<100000x128xf32, #tpu.memory_space<hbm>> -> memref<100000x128xf32, #tpu.memory_space<hbm>>
      tpu.enqueue_indirect_dma source(%dma_start3A_60 : memref<100000x128xf32, #tpu.memory_space<hbm>>) target(%arg7 : memref<128x128xf32, #tpu.memory_space<vmem>>) offsets(%dma_start3A_57 : memref<128xi32, #tpu.memory_space<vmem>>) semaphore(%arg9 : memref<!tpu.dma_semaphore, #tpu.memory_space<semaphore_mem>>)
    } else {
    }
    %scan3A = arith.constant 0 : i32
    %scan3A_35 = arith.constant 0 : i32
    %scan3A_36 = arith.constant 6 : i32
    %scan3A_37 = arith.addi %scan3A_35, %scan3A_36 : i32
    %scan3A_38 = arith.constant 1 : i32
    scf.for %scan3A_56 = %scan3A_35 to %scan3A_37 step %scan3A_38  : i32 {
      %mul3A_57 = arith.constant 2 : i32
      %mul3A_58 = arith.muli %mul3A_57, %scan3A_56 : i32
      %add3A_59 = arith.addi %mul3A_22, %mul3A_58 : i32
      %add3A_60 = arith.constant 1 : i32
      %add3A_61 = arith.addi %add3A_59, %add3A_60 : i32
      %lt3A_62 = arith.cmpi slt, %add3A_59, %min3A_25 : i32
      %convert_element_type3A_63 = arith.extui %lt3A_62 : i1 to i32
      %cond3A_64 = arith.constant 0 : i32
      %cond3A_65 = arith.cmpi ne, %convert_element_type3A_63, %cond3A_64 : i32
      scf.if %cond3A_65 {
        %dma_wait3A = arith.constant 0 : i32
        %dma_wait3A_98 = tpu.memref_slice %arg5[%add3A_59, %dma_wait3A] : memref<50x128xi32, #tpu.memory_space<vmem>> -> memref<1x128xi32, #tpu.memory_space<vmem>>
        %dma_wait3A_99 = tpu.memref_squeeze %dma_wait3A_98 : memref<1x128xi32, #tpu.memory_space<vmem>> -> memref<128xi32, #tpu.memory_space<vmem>>
        %dma_wait3A_100 = arith.constant 0 : i32
        %dma_wait3A_101 = arith.constant 0 : i32
        %dma_wait3A_102 = tpu.memref_slice %arg2[%dma_wait3A_100, %dma_wait3A_101] : memref<100000x128xf32, #tpu.memory_space<hbm>> -> memref<100000x128xf32, #tpu.memory_space<hbm>>
        tpu.wait_indirect_dma semaphore(%arg8 : memref<!tpu.dma_semaphore, #tpu.memory_space<semaphore_mem>>) src(%dma_wait3A_102 : memref<100000x128xf32, #tpu.memory_space<hbm>>) dst(%arg6 : memref<128x128xf32, #tpu.memory_space<vmem>>)
      } else {
      }
      %lt3A_66 = arith.cmpi slt, %add3A_59, %min3A_25 : i32
      %convert_element_type3A_67 = arith.extui %lt3A_66 : i1 to i32
      %cond3A_68 = arith.constant 0 : i32
      %cond3A_69 = arith.cmpi ne, %convert_element_type3A_67, %cond3A_68 : i32
      scf.if %cond3A_69 {
        %dma_start3A = arith.constant 0 : i32
        %dma_start3A_98 = tpu.memref_slice %arg4[%add3A_59, %mul3A_20, %dma_start3A] : memref<50x1024x128xf32, #tpu.memory_space<hbm>> -> memref<1x128x128xf32, #tpu.memory_space<hbm>>
        %dma_start3A_99 = tpu.memref_squeeze %dma_start3A_98 : memref<1x128x128xf32, #tpu.memory_space<hbm>> -> memref<128x128xf32, #tpu.memory_space<hbm>>
        %dma_start3A_100 = arith.constant 0 : i32
        %dma_start3A_101 = tpu.memref_slice %arg4[%add3A_59, %mul3A_20, %dma_start3A_100] : memref<50x1024x128xf32, #tpu.memory_space<hbm>> -> memref<1x128x128xf32, #tpu.memory_space<hbm>>
        %dma_start3A_102 = tpu.memref_squeeze %dma_start3A_101 : memref<1x128x128xf32, #tpu.memory_space<hbm>> -> memref<128x128xf32, #tpu.memory_space<hbm>>
        tpu.enqueue_dma source(%arg6 : memref<128x128xf32, #tpu.memory_space<vmem>>) target(%dma_start3A_102 : memref<128x128xf32, #tpu.memory_space<hbm>>) target_semaphore(%arg10 : memref<!tpu.dma_semaphore, #tpu.memory_space<semaphore_mem>>)
      } else {
      }
      %lt3A_70 = arith.cmpi slt, %add3A_61, %min3A_25 : i32
      %convert_element_type3A_71 = arith.extui %lt3A_70 : i1 to i32
      %cond3A_72 = arith.constant 0 : i32
      %cond3A_73 = arith.cmpi ne, %convert_element_type3A_71, %cond3A_72 : i32
      scf.if %cond3A_73 {
        %dma_wait3A = arith.constant 0 : i32
        %dma_wait3A_98 = tpu.memref_slice %arg5[%add3A_61, %dma_wait3A] : memref<50x128xi32, #tpu.memory_space<vmem>> -> memref<1x128xi32, #tpu.memory_space<vmem>>
        %dma_wait3A_99 = tpu.memref_squeeze %dma_wait3A_98 : memref<1x128xi32, #tpu.memory_space<vmem>> -> memref<128xi32, #tpu.memory_space<vmem>>
        %dma_wait3A_100 = arith.constant 0 : i32
        %dma_wait3A_101 = arith.constant 0 : i32
        %dma_wait3A_102 = tpu.memref_slice %arg2[%dma_wait3A_100, %dma_wait3A_101] : memref<100000x128xf32, #tpu.memory_space<hbm>> -> memref<100000x128xf32, #tpu.memory_space<hbm>>
        tpu.wait_indirect_dma semaphore(%arg9 : memref<!tpu.dma_semaphore, #tpu.memory_space<semaphore_mem>>) src(%dma_wait3A_102 : memref<100000x128xf32, #tpu.memory_space<hbm>>) dst(%arg7 : memref<128x128xf32, #tpu.memory_space<vmem>>)
      } else {
      }
      %lt3A_74 = arith.cmpi slt, %add3A_61, %min3A_25 : i32
      %convert_element_type3A_75 = arith.extui %lt3A_74 : i1 to i32
      %cond3A_76 = arith.constant 0 : i32
      %cond3A_77 = arith.cmpi ne, %convert_element_type3A_75, %cond3A_76 : i32
      scf.if %cond3A_77 {
        %dma_start3A = arith.constant 0 : i32
        %dma_start3A_98 = tpu.memref_slice %arg4[%add3A_61, %mul3A_20, %dma_start3A] : memref<50x1024x128xf32, #tpu.memory_space<hbm>> -> memref<1x128x128xf32, #tpu.memory_space<hbm>>
        %dma_start3A_99 = tpu.memref_squeeze %dma_start3A_98 : memref<1x128x128xf32, #tpu.memory_space<hbm>> -> memref<128x128xf32, #tpu.memory_space<hbm>>
        %dma_start3A_100 = arith.constant 0 : i32
        %dma_start3A_101 = tpu.memref_slice %arg4[%add3A_61, %mul3A_20, %dma_start3A_100] : memref<50x1024x128xf32, #tpu.memory_space<hbm>> -> memref<1x128x128xf32, #tpu.memory_space<hbm>>
        %dma_start3A_102 = tpu.memref_squeeze %dma_start3A_101 : memref<1x128x128xf32, #tpu.memory_space<hbm>> -> memref<128x128xf32, #tpu.memory_space<hbm>>
        tpu.enqueue_dma source(%arg7 : memref<128x128xf32, #tpu.memory_space<vmem>>) target(%dma_start3A_102 : memref<128x128xf32, #tpu.memory_space<hbm>>) target_semaphore(%arg11 : memref<!tpu.dma_semaphore, #tpu.memory_space<semaphore_mem>>)
      } else {
      }
      %lt3A_78 = arith.cmpi slt, %add3A_59, %min3A_25 : i32
      %convert_element_type3A_79 = arith.extui %lt3A_78 : i1 to i32
      %cond3A_80 = arith.constant 0 : i32
      %cond3A_81 = arith.cmpi ne, %convert_element_type3A_79, %cond3A_80 : i32
      scf.if %cond3A_81 {
        %dma_wait3A = arith.constant 0 : i32
        %dma_wait3A_98 = tpu.memref_slice %arg4[%add3A_59, %mul3A_20, %dma_wait3A] : memref<50x1024x128xf32, #tpu.memory_space<hbm>> -> memref<1x128x128xf32, #tpu.memory_space<hbm>>
        %dma_wait3A_99 = tpu.memref_squeeze %dma_wait3A_98 : memref<1x128x128xf32, #tpu.memory_space<hbm>> -> memref<128x128xf32, #tpu.memory_space<hbm>>
        %dma_wait3A_100 = arith.constant 0 : i32
        %dma_wait3A_101 = tpu.memref_slice %arg4[%add3A_59, %mul3A_20, %dma_wait3A_100] : memref<50x1024x128xf32, #tpu.memory_space<hbm>> -> memref<1x128x128xf32, #tpu.memory_space<hbm>>
        %dma_wait3A_102 = tpu.memref_squeeze %dma_wait3A_101 : memref<1x128x128xf32, #tpu.memory_space<hbm>> -> memref<128x128xf32, #tpu.memory_space<hbm>>
        tpu.wait_dma2 semaphore(%arg10 : memref<!tpu.dma_semaphore, #tpu.memory_space<semaphore_mem>>) src(%arg6 : memref<128x128xf32, #tpu.memory_space<vmem>>) dst(%dma_wait3A_102 : memref<128x128xf32, #tpu.memory_space<hbm>>)
      } else {
      }
      %add3A_82 = arith.constant 2 : i32
      %add3A_83 = arith.addi %add3A_59, %add3A_82 : i32
      %lt3A_84 = arith.cmpi slt, %add3A_83, %min3A_25 : i32
      %convert_element_type3A_85 = arith.extui %lt3A_84 : i1 to i32
      %cond3A_86 = arith.constant 0 : i32
      %cond3A_87 = arith.cmpi ne, %convert_element_type3A_85, %cond3A_86 : i32
      scf.if %cond3A_87 {
        %dma_start3A = arith.constant 0 : i32
        %dma_start3A_98 = tpu.memref_slice %arg5[%add3A_83, %dma_start3A] : memref<50x128xi32, #tpu.memory_space<vmem>> -> memref<1x128xi32, #tpu.memory_space<vmem>>
        %dma_start3A_99 = tpu.memref_squeeze %dma_start3A_98 : memref<1x128xi32, #tpu.memory_space<vmem>> -> memref<128xi32, #tpu.memory_space<vmem>>
        %dma_start3A_100 = arith.constant 0 : i32
        %dma_start3A_101 = arith.constant 0 : i32
        %dma_start3A_102 = tpu.memref_slice %arg2[%dma_start3A_100, %dma_start3A_101] : memref<100000x128xf32, #tpu.memory_space<hbm>> -> memref<100000x128xf32, #tpu.memory_space<hbm>>
        tpu.enqueue_indirect_dma source(%dma_start3A_102 : memref<100000x128xf32, #tpu.memory_space<hbm>>) target(%arg6 : memref<128x128xf32, #tpu.memory_space<vmem>>) offsets(%dma_start3A_99 : memref<128xi32, #tpu.memory_space<vmem>>) semaphore(%arg8 : memref<!tpu.dma_semaphore, #tpu.memory_space<semaphore_mem>>)
      } else {
      }
      %lt3A_88 = arith.cmpi slt, %add3A_61, %min3A_25 : i32
      %convert_element_type3A_89 = arith.extui %lt3A_88 : i1 to i32
      %cond3A_90 = arith.constant 0 : i32
      %cond3A_91 = arith.cmpi ne, %convert_element_type3A_89, %cond3A_90 : i32
      scf.if %cond3A_91 {
        %dma_wait3A = arith.constant 0 : i32
        %dma_wait3A_98 = tpu.memref_slice %arg4[%add3A_61, %mul3A_20, %dma_wait3A] : memref<50x1024x128xf32, #tpu.memory_space<hbm>> -> memref<1x128x128xf32, #tpu.memory_space<hbm>>
        %dma_wait3A_99 = tpu.memref_squeeze %dma_wait3A_98 : memref<1x128x128xf32, #tpu.memory_space<hbm>> -> memref<128x128xf32, #tpu.memory_space<hbm>>
        %dma_wait3A_100 = arith.constant 0 : i32
        %dma_wait3A_101 = tpu.memref_slice %arg4[%add3A_61, %mul3A_20, %dma_wait3A_100] : memref<50x1024x128xf32, #tpu.memory_space<hbm>> -> memref<1x128x128xf32, #tpu.memory_space<hbm>>
        %dma_wait3A_102 = tpu.memref_squeeze %dma_wait3A_101 : memref<1x128x128xf32, #tpu.memory_space<hbm>> -> memref<128x128xf32, #tpu.memory_space<hbm>>
        tpu.wait_dma2 semaphore(%arg11 : memref<!tpu.dma_semaphore, #tpu.memory_space<semaphore_mem>>) src(%arg7 : memref<128x128xf32, #tpu.memory_space<vmem>>) dst(%dma_wait3A_102 : memref<128x128xf32, #tpu.memory_space<hbm>>)
      } else {
      }
      %add3A_92 = arith.constant 2 : i32
      %add3A_93 = arith.addi %add3A_61, %add3A_92 : i32
      %lt3A_94 = arith.cmpi slt, %add3A_93, %min3A_25 : i32
      %convert_element_type3A_95 = arith.extui %lt3A_94 : i1 to i32
      %cond3A_96 = arith.constant 0 : i32
      %cond3A_97 = arith.cmpi ne, %convert_element_type3A_95, %cond3A_96 : i32
      scf.if %cond3A_97 {
        %dma_start3A = arith.constant 0 : i32
        %dma_start3A_98 = tpu.memref_slice %arg5[%add3A_93, %dma_start3A] : memref<50x128xi32, #tpu.memory_space<vmem>> -> memref<1x128xi32, #tpu.memory_space<vmem>>
        %dma_start3A_99 = tpu.memref_squeeze %dma_start3A_98 : memref<1x128xi32, #tpu.memory_space<vmem>> -> memref<128xi32, #tpu.memory_space<vmem>>
        %dma_start3A_100 = arith.constant 0 : i32
        %dma_start3A_101 = arith.constant 0 : i32
        %dma_start3A_102 = tpu.memref_slice %arg2[%dma_start3A_100, %dma_start3A_101] : memref<100000x128xf32, #tpu.memory_space<hbm>> -> memref<100000x128xf32, #tpu.memory_space<hbm>>
        tpu.enqueue_indirect_dma source(%dma_start3A_102 : memref<100000x128xf32, #tpu.memory_space<hbm>>) target(%arg7 : memref<128x128xf32, #tpu.memory_space<vmem>>) offsets(%dma_start3A_99 : memref<128xi32, #tpu.memory_space<vmem>>) semaphore(%arg9 : memref<!tpu.dma_semaphore, #tpu.memory_space<semaphore_mem>>)
      } else {
      }
    }
    %scan3A_39 = arith.constant 6 : i32
    %add3A_40 = arith.constant 13 : i32
    %add3A_41 = arith.addi %mul3A_22, %add3A_40 : i32
    %sub3A_42 = arith.constant 1 : i32
    %sub3A_43 = arith.subi %add3A_41, %sub3A_42 : i32
    %lt3A_44 = arith.cmpi slt, %sub3A_43, %min3A_25 : i32
    %convert_element_type3A_45 = arith.extui %lt3A_44 : i1 to i32
    %cond3A_46 = arith.constant 0 : i32
    %cond3A_47 = arith.cmpi ne, %convert_element_type3A_45, %cond3A_46 : i32
    scf.if %cond3A_47 {
      %dma_wait3A = arith.constant 0 : i32
      %dma_wait3A_56 = tpu.memref_slice %arg5[%sub3A_43, %dma_wait3A] : memref<50x128xi32, #tpu.memory_space<vmem>> -> memref<1x128xi32, #tpu.memory_space<vmem>>
      %dma_wait3A_57 = tpu.memref_squeeze %dma_wait3A_56 : memref<1x128xi32, #tpu.memory_space<vmem>> -> memref<128xi32, #tpu.memory_space<vmem>>
      %dma_wait3A_58 = arith.constant 0 : i32
      %dma_wait3A_59 = arith.constant 0 : i32
      %dma_wait3A_60 = tpu.memref_slice %arg2[%dma_wait3A_58, %dma_wait3A_59] : memref<100000x128xf32, #tpu.memory_space<hbm>> -> memref<100000x128xf32, #tpu.memory_space<hbm>>
      tpu.wait_indirect_dma semaphore(%arg8 : memref<!tpu.dma_semaphore, #tpu.memory_space<semaphore_mem>>) src(%dma_wait3A_60 : memref<100000x128xf32, #tpu.memory_space<hbm>>) dst(%arg6 : memref<128x128xf32, #tpu.memory_space<vmem>>)
    } else {
    }
    %lt3A_48 = arith.cmpi slt, %sub3A_43, %min3A_25 : i32
    %convert_element_type3A_49 = arith.extui %lt3A_48 : i1 to i32
    %cond3A_50 = arith.constant 0 : i32
    %cond3A_51 = arith.cmpi ne, %convert_element_type3A_49, %cond3A_50 : i32
    scf.if %cond3A_51 {
      %dma_start3A = arith.constant 0 : i32
      %dma_start3A_56 = tpu.memref_slice %arg4[%sub3A_43, %mul3A_20, %dma_start3A] : memref<50x1024x128xf32, #tpu.memory_space<hbm>> -> memref<1x128x128xf32, #tpu.memory_space<hbm>>
      %dma_start3A_57 = tpu.memref_squeeze %dma_start3A_56 : memref<1x128x128xf32, #tpu.memory_space<hbm>> -> memref<128x128xf32, #tpu.memory_space<hbm>>
      %dma_start3A_58 = arith.constant 0 : i32
      %dma_start3A_59 = tpu.memref_slice %arg4[%sub3A_43, %mul3A_20, %dma_start3A_58] : memref<50x1024x128xf32, #tpu.memory_space<hbm>> -> memref<1x128x128xf32, #tpu.memory_space<hbm>>
      %dma_start3A_60 = tpu.memref_squeeze %dma_start3A_59 : memref<1x128x128xf32, #tpu.memory_space<hbm>> -> memref<128x128xf32, #tpu.memory_space<hbm>>
      tpu.enqueue_dma source(%arg6 : memref<128x128xf32, #tpu.memory_space<vmem>>) target(%dma_start3A_60 : memref<128x128xf32, #tpu.memory_space<hbm>>) target_semaphore(%arg10 : memref<!tpu.dma_semaphore, #tpu.memory_space<semaphore_mem>>)
    } else {
    }
    %lt3A_52 = arith.cmpi slt, %sub3A_43, %min3A_25 : i32
    %convert_element_type3A_53 = arith.extui %lt3A_52 : i1 to i32
    %cond3A_54 = arith.constant 0 : i32
    %cond3A_55 = arith.cmpi ne, %convert_element_type3A_53, %cond3A_54 : i32
    scf.if %cond3A_55 {
      %dma_wait3A = arith.constant 0 : i32
      %dma_wait3A_56 = tpu.memref_slice %arg4[%sub3A_43, %mul3A_20, %dma_wait3A] : memref<50x1024x128xf32, #tpu.memory_space<hbm>> -> memref<1x128x128xf32, #tpu.memory_space<hbm>>
      %dma_wait3A_57 = tpu.memref_squeeze %dma_wait3A_56 : memref<1x128x128xf32, #tpu.memory_space<hbm>> -> memref<128x128xf32, #tpu.memory_space<hbm>>
      %dma_wait3A_58 = arith.constant 0 : i32
      %dma_wait3A_59 = tpu.memref_slice %arg4[%sub3A_43, %mul3A_20, %dma_wait3A_58] : memref<50x1024x128xf32, #tpu.memory_space<hbm>> -> memref<1x128x128xf32, #tpu.memory_space<hbm>>
      %dma_wait3A_60 = tpu.memref_squeeze %dma_wait3A_59 : memref<1x128x128xf32, #tpu.memory_space<hbm>> -> memref<128x128xf32, #tpu.memory_space<hbm>>
      tpu.wait_dma2 semaphore(%arg10 : memref<!tpu.dma_semaphore, #tpu.memory_space<semaphore_mem>>) src(%arg6 : memref<128x128xf32, #tpu.memory_space<vmem>>) dst(%dma_wait3A_60 : memref<128x128xf32, #tpu.memory_space<hbm>>)
    } else {
    }
    return
  }
}

#map = affine_map<(d0, d1) -> (0, 0)>
#map1 = affine_map<(d0, d1) -> (0, 0, 0)>
module attributes {stable_mosaic.version = 14 : i64} {
  func.func @_sc_gather_body(%arg0: i32, %arg1: i32, %arg2: memref<100000x128xf32, #tpu.memory_space<hbm>>, %arg3: memref<50x4096xi32, #tpu.memory_space<hbm>>, %arg4: memref<50x1024x128xf32, #tpu.memory_space<hbm>>, %arg5: memref<50x128xi32, #tpu.memory_space<vmem>>, %arg6: memref<128x128xf32, #tpu.memory_space<vmem>>, %arg7: memref<128x128xf32, #tpu.memory_space<vmem>>, %arg8: memref<!tpu.dma_semaphore, #tpu.memory_space<semaphore_mem>>, %arg9: memref<!tpu.dma_semaphore, #tpu.memory_space<semaphore_mem>>, %arg10: memref<!tpu.dma_semaphore, #tpu.memory_space<semaphore_mem>>, %arg11: memref<!tpu.dma_semaphore, #tpu.memory_space<semaphore_mem>>) attributes {dimension_semantics = [#tpu.dimension_semantics<core_parallel>, #tpu.dimension_semantics<subcore_parallel>], iteration_bounds = array<i64: 2, 16>, scalar_prefetch = 0 : i64, scratch_operands = 7 : i64, tpu.core_type = #tpu.core_type<sc_vector_subcore>, window_params = [{transform_indices = #map}, {transform_indices = #map}, {transform_indices = #map1}]} {
    %mul3A = arith.constant 2 : i32
    %mul3A_0 = arith.muli %arg1, %mul3A : i32
    %add3A = arith.addi %mul3A_0, %arg0 : i32
    %rem3A = arith.constant 8 : i32
    %rem3A_1 = arith.remsi %add3A, %rem3A : i32
    %jit3A = arith.constant 8 : i32
    %div3A = arith.divsi %add3A, %jit3A : i32
    %sign3A = arith.constant 0 : i32
    %sign3A_2 = arith.cmpi sgt, %add3A, %sign3A : i32
    %sign3A_3 = arith.extui %sign3A_2 : i1 to i32
    %sign3A_4 = arith.constant 0 : i32
    %sign3A_5 = arith.cmpi slt, %add3A, %sign3A_4 : i32
    %sign3A_6 = arith.extui %sign3A_5 : i1 to i32
    %sign3A_7 = arith.subi %sign3A_3, %sign3A_6 : i32
    %sign3A_8 = arith.constant 0 : i32
    %sign3A_9 = arith.cmpi sgt, %jit3A, %sign3A_8 : i32
    %sign3A_10 = arith.extui %sign3A_9 : i1 to i32
    %sign3A_11 = arith.constant 0 : i32
    %sign3A_12 = arith.cmpi slt, %jit3A, %sign3A_11 : i32
    %sign3A_13 = arith.extui %sign3A_12 : i1 to i32
    %sign3A_14 = arith.subi %sign3A_10, %sign3A_13 : i32
    %ne3A = arith.cmpi ne, %sign3A_7, %sign3A_14 : i32
    %rem3A_15 = arith.remsi %add3A, %jit3A : i32
    %ne3A_16 = arith.constant 0 : i32
    %ne3A_17 = arith.cmpi ne, %rem3A_15, %ne3A_16 : i32
    %and3A = arith.andi %ne3A, %ne3A_17 : i1
    %sub3A = arith.constant 1 : i32
    %sub3A_18 = arith.subi %div3A, %sub3A : i32
    %select_n3A = arith.select %and3A, %sub3A_18, %div3A : i32
    %mul3A_19 = arith.constant 128 : i32
    %mul3A_20 = arith.muli %rem3A_1, %mul3A_19 : i32
    %mul3A_21 = arith.constant 13 : i32
    %mul3A_22 = arith.muli %select_n3A, %mul3A_21 : i32
    %add3A_23 = arith.constant 13 : i32
    %add3A_24 = arith.addi %mul3A_22, %add3A_23 : i32
    %min3A = arith.constant 50 : i32
    %min3A_25 = arith.minsi %add3A_24, %min3A : i32
    %add3A_26 = arith.constant 2048 : i32
    %add3A_27 = arith.addi %add3A_26, %mul3A_20 : i32
    "tpu.region"() ({
      %run_scoped3A = tpu.sem_alloc : memref<!tpu.dma_semaphore, #tpu.memory_space<semaphore_mem>>
      %dma_start3A = arith.constant 0 : i32
      %dma_start3A_56 = tpu.memref_slice %arg3[%dma_start3A, %add3A_27] : memref<50x4096xi32, #tpu.memory_space<hbm>> -> memref<50x128xi32, #tpu.memory_space<hbm>>
      %dma_start3A_57 = arith.constant 0 : i32
      %dma_start3A_58 = tpu.memref_slice %arg3[%dma_start3A_57, %add3A_27] : memref<50x4096xi32, #tpu.memory_space<hbm>> -> memref<50x128xi32, #tpu.memory_space<hbm>>
      tpu.enqueue_dma source(%dma_start3A_58 : memref<50x128xi32, #tpu.memory_space<hbm>>) target(%arg5 : memref<50x128xi32, #tpu.memory_space<vmem>>) target_semaphore(%run_scoped3A : memref<!tpu.dma_semaphore, #tpu.memory_space<semaphore_mem>>)
      %dma_wait3A = arith.constant 0 : i32
      %dma_wait3A_59 = tpu.memref_slice %arg3[%dma_wait3A, %add3A_27] : memref<50x4096xi32, #tpu.memory_space<hbm>> -> memref<50x128xi32, #tpu.memory_space<hbm>>
      %dma_wait3A_60 = arith.constant 0 : i32
      %dma_wait3A_61 = tpu.memref_slice %arg3[%dma_wait3A_60, %add3A_27] : memref<50x4096xi32, #tpu.memory_space<hbm>> -> memref<50x128xi32, #tpu.memory_space<hbm>>
      tpu.wait_dma2 semaphore(%run_scoped3A : memref<!tpu.dma_semaphore, #tpu.memory_space<semaphore_mem>>) src(%dma_wait3A_61 : memref<50x128xi32, #tpu.memory_space<hbm>>) dst(%arg5 : memref<50x128xi32, #tpu.memory_space<vmem>>)
      tpu.yield
    }) : () -> ()
    %lt3A = arith.cmpi slt, %mul3A_22, %min3A_25 : i32
    %convert_element_type3A = arith.extui %lt3A : i1 to i32
    %cond3A = arith.constant 0 : i32
    %cond3A_28 = arith.cmpi ne, %convert_element_type3A, %cond3A : i32
    scf.if %cond3A_28 {
      %dma_start3A = arith.constant 0 : i32
      %dma_start3A_56 = tpu.memref_slice %arg5[%mul3A_22, %dma_start3A] : memref<50x128xi32, #tpu.memory_space<vmem>> -> memref<1x128xi32, #tpu.memory_space<vmem>>
      %dma_start3A_57 = tpu.memref_squeeze %dma_start3A_56 : memref<1x128xi32, #tpu.memory_space<vmem>> -> memref<128xi32, #tpu.memory_space<vmem>>
      %dma_start3A_58 = arith.constant 0 : i32
      %dma_start3A_59 = arith.constant 0 : i32
      %dma_start3A_60 = tpu.memref_slice %arg2[%dma_start3A_58, %dma_start3A_59] : memref<100000x128xf32, #tpu.memory_space<hbm>> -> memref<100000x128xf32, #tpu.memory_space<hbm>>
      tpu.enqueue_indirect_dma source(%dma_start3A_60 : memref<100000x128xf32, #tpu.memory_space<hbm>>) target(%arg6 : memref<128x128xf32, #tpu.memory_space<vmem>>) offsets(%dma_start3A_57 : memref<128xi32, #tpu.memory_space<vmem>>) semaphore(%arg8 : memref<!tpu.dma_semaphore, #tpu.memory_space<semaphore_mem>>)
    } else {
    }
    %add3A_29 = arith.constant 1 : i32
    %add3A_30 = arith.addi %mul3A_22, %add3A_29 : i32
    %lt3A_31 = arith.cmpi slt, %add3A_30, %min3A_25 : i32
    %convert_element_type3A_32 = arith.extui %lt3A_31 : i1 to i32
    %cond3A_33 = arith.constant 0 : i32
    %cond3A_34 = arith.cmpi ne, %convert_element_type3A_32, %cond3A_33 : i32
    scf.if %cond3A_34 {
      %dma_start3A = arith.constant 0 : i32
      %dma_start3A_56 = tpu.memref_slice %arg5[%add3A_30, %dma_start3A] : memref<50x128xi32, #tpu.memory_space<vmem>> -> memref<1x128xi32, #tpu.memory_space<vmem>>
      %dma_start3A_57 = tpu.memref_squeeze %dma_start3A_56 : memref<1x128xi32, #tpu.memory_space<vmem>> -> memref<128xi32, #tpu.memory_space<vmem>>
      %dma_start3A_58 = arith.constant 0 : i32
      %dma_start3A_59 = arith.constant 0 : i32
      %dma_start3A_60 = tpu.memref_slice %arg2[%dma_start3A_58, %dma_start3A_59] : memref<100000x128xf32, #tpu.memory_space<hbm>> -> memref<100000x128xf32, #tpu.memory_space<hbm>>
      tpu.enqueue_indirect_dma source(%dma_start3A_60 : memref<100000x128xf32, #tpu.memory_space<hbm>>) target(%arg7 : memref<128x128xf32, #tpu.memory_space<vmem>>) offsets(%dma_start3A_57 : memref<128xi32, #tpu.memory_space<vmem>>) semaphore(%arg9 : memref<!tpu.dma_semaphore, #tpu.memory_space<semaphore_mem>>)
    } else {
    }
    %scan3A = arith.constant 0 : i32
    %scan3A_35 = arith.constant 0 : i32
    %scan3A_36 = arith.constant 6 : i32
    %scan3A_37 = arith.addi %scan3A_35, %scan3A_36 : i32
    %scan3A_38 = arith.constant 1 : i32
    scf.for %scan3A_56 = %scan3A_35 to %scan3A_37 step %scan3A_38  : i32 {
      %mul3A_57 = arith.constant 2 : i32
      %mul3A_58 = arith.muli %mul3A_57, %scan3A_56 : i32
      %add3A_59 = arith.addi %mul3A_22, %mul3A_58 : i32
      %add3A_60 = arith.constant 1 : i32
      %add3A_61 = arith.addi %add3A_59, %add3A_60 : i32
      %lt3A_62 = arith.cmpi slt, %add3A_59, %min3A_25 : i32
      %convert_element_type3A_63 = arith.extui %lt3A_62 : i1 to i32
      %cond3A_64 = arith.constant 0 : i32
      %cond3A_65 = arith.cmpi ne, %convert_element_type3A_63, %cond3A_64 : i32
      scf.if %cond3A_65 {
        %dma_wait3A = arith.constant 0 : i32
        %dma_wait3A_98 = tpu.memref_slice %arg5[%add3A_59, %dma_wait3A] : memref<50x128xi32, #tpu.memory_space<vmem>> -> memref<1x128xi32, #tpu.memory_space<vmem>>
        %dma_wait3A_99 = tpu.memref_squeeze %dma_wait3A_98 : memref<1x128xi32, #tpu.memory_space<vmem>> -> memref<128xi32, #tpu.memory_space<vmem>>
        %dma_wait3A_100 = arith.constant 0 : i32
        %dma_wait3A_101 = arith.constant 0 : i32
        %dma_wait3A_102 = tpu.memref_slice %arg2[%dma_wait3A_100, %dma_wait3A_101] : memref<100000x128xf32, #tpu.memory_space<hbm>> -> memref<100000x128xf32, #tpu.memory_space<hbm>>
        tpu.wait_indirect_dma semaphore(%arg8 : memref<!tpu.dma_semaphore, #tpu.memory_space<semaphore_mem>>) src(%dma_wait3A_102 : memref<100000x128xf32, #tpu.memory_space<hbm>>) dst(%arg6 : memref<128x128xf32, #tpu.memory_space<vmem>>)
      } else {
      }
      %lt3A_66 = arith.cmpi slt, %add3A_59, %min3A_25 : i32
      %convert_element_type3A_67 = arith.extui %lt3A_66 : i1 to i32
      %cond3A_68 = arith.constant 0 : i32
      %cond3A_69 = arith.cmpi ne, %convert_element_type3A_67, %cond3A_68 : i32
      scf.if %cond3A_69 {
        %dma_start3A = arith.constant 0 : i32
        %dma_start3A_98 = tpu.memref_slice %arg4[%add3A_59, %mul3A_20, %dma_start3A] : memref<50x1024x128xf32, #tpu.memory_space<hbm>> -> memref<1x128x128xf32, #tpu.memory_space<hbm>>
        %dma_start3A_99 = tpu.memref_squeeze %dma_start3A_98 : memref<1x128x128xf32, #tpu.memory_space<hbm>> -> memref<128x128xf32, #tpu.memory_space<hbm>>
        %dma_start3A_100 = arith.constant 0 : i32
        %dma_start3A_101 = tpu.memref_slice %arg4[%add3A_59, %mul3A_20, %dma_start3A_100] : memref<50x1024x128xf32, #tpu.memory_space<hbm>> -> memref<1x128x128xf32, #tpu.memory_space<hbm>>
        %dma_start3A_102 = tpu.memref_squeeze %dma_start3A_101 : memref<1x128x128xf32, #tpu.memory_space<hbm>> -> memref<128x128xf32, #tpu.memory_space<hbm>>
        tpu.enqueue_dma source(%arg6 : memref<128x128xf32, #tpu.memory_space<vmem>>) target(%dma_start3A_102 : memref<128x128xf32, #tpu.memory_space<hbm>>) target_semaphore(%arg10 : memref<!tpu.dma_semaphore, #tpu.memory_space<semaphore_mem>>)
      } else {
      }
      %lt3A_70 = arith.cmpi slt, %add3A_61, %min3A_25 : i32
      %convert_element_type3A_71 = arith.extui %lt3A_70 : i1 to i32
      %cond3A_72 = arith.constant 0 : i32
      %cond3A_73 = arith.cmpi ne, %convert_element_type3A_71, %cond3A_72 : i32
      scf.if %cond3A_73 {
        %dma_wait3A = arith.constant 0 : i32
        %dma_wait3A_98 = tpu.memref_slice %arg5[%add3A_61, %dma_wait3A] : memref<50x128xi32, #tpu.memory_space<vmem>> -> memref<1x128xi32, #tpu.memory_space<vmem>>
        %dma_wait3A_99 = tpu.memref_squeeze %dma_wait3A_98 : memref<1x128xi32, #tpu.memory_space<vmem>> -> memref<128xi32, #tpu.memory_space<vmem>>
        %dma_wait3A_100 = arith.constant 0 : i32
        %dma_wait3A_101 = arith.constant 0 : i32
        %dma_wait3A_102 = tpu.memref_slice %arg2[%dma_wait3A_100, %dma_wait3A_101] : memref<100000x128xf32, #tpu.memory_space<hbm>> -> memref<100000x128xf32, #tpu.memory_space<hbm>>
        tpu.wait_indirect_dma semaphore(%arg9 : memref<!tpu.dma_semaphore, #tpu.memory_space<semaphore_mem>>) src(%dma_wait3A_102 : memref<100000x128xf32, #tpu.memory_space<hbm>>) dst(%arg7 : memref<128x128xf32, #tpu.memory_space<vmem>>)
      } else {
      }
      %lt3A_74 = arith.cmpi slt, %add3A_61, %min3A_25 : i32
      %convert_element_type3A_75 = arith.extui %lt3A_74 : i1 to i32
      %cond3A_76 = arith.constant 0 : i32
      %cond3A_77 = arith.cmpi ne, %convert_element_type3A_75, %cond3A_76 : i32
      scf.if %cond3A_77 {
        %dma_start3A = arith.constant 0 : i32
        %dma_start3A_98 = tpu.memref_slice %arg4[%add3A_61, %mul3A_20, %dma_start3A] : memref<50x1024x128xf32, #tpu.memory_space<hbm>> -> memref<1x128x128xf32, #tpu.memory_space<hbm>>
        %dma_start3A_99 = tpu.memref_squeeze %dma_start3A_98 : memref<1x128x128xf32, #tpu.memory_space<hbm>> -> memref<128x128xf32, #tpu.memory_space<hbm>>
        %dma_start3A_100 = arith.constant 0 : i32
        %dma_start3A_101 = tpu.memref_slice %arg4[%add3A_61, %mul3A_20, %dma_start3A_100] : memref<50x1024x128xf32, #tpu.memory_space<hbm>> -> memref<1x128x128xf32, #tpu.memory_space<hbm>>
        %dma_start3A_102 = tpu.memref_squeeze %dma_start3A_101 : memref<1x128x128xf32, #tpu.memory_space<hbm>> -> memref<128x128xf32, #tpu.memory_space<hbm>>
        tpu.enqueue_dma source(%arg7 : memref<128x128xf32, #tpu.memory_space<vmem>>) target(%dma_start3A_102 : memref<128x128xf32, #tpu.memory_space<hbm>>) target_semaphore(%arg11 : memref<!tpu.dma_semaphore, #tpu.memory_space<semaphore_mem>>)
      } else {
      }
      %lt3A_78 = arith.cmpi slt, %add3A_59, %min3A_25 : i32
      %convert_element_type3A_79 = arith.extui %lt3A_78 : i1 to i32
      %cond3A_80 = arith.constant 0 : i32
      %cond3A_81 = arith.cmpi ne, %convert_element_type3A_79, %cond3A_80 : i32
      scf.if %cond3A_81 {
        %dma_wait3A = arith.constant 0 : i32
        %dma_wait3A_98 = tpu.memref_slice %arg4[%add3A_59, %mul3A_20, %dma_wait3A] : memref<50x1024x128xf32, #tpu.memory_space<hbm>> -> memref<1x128x128xf32, #tpu.memory_space<hbm>>
        %dma_wait3A_99 = tpu.memref_squeeze %dma_wait3A_98 : memref<1x128x128xf32, #tpu.memory_space<hbm>> -> memref<128x128xf32, #tpu.memory_space<hbm>>
        %dma_wait3A_100 = arith.constant 0 : i32
        %dma_wait3A_101 = tpu.memref_slice %arg4[%add3A_59, %mul3A_20, %dma_wait3A_100] : memref<50x1024x128xf32, #tpu.memory_space<hbm>> -> memref<1x128x128xf32, #tpu.memory_space<hbm>>
        %dma_wait3A_102 = tpu.memref_squeeze %dma_wait3A_101 : memref<1x128x128xf32, #tpu.memory_space<hbm>> -> memref<128x128xf32, #tpu.memory_space<hbm>>
        tpu.wait_dma2 semaphore(%arg10 : memref<!tpu.dma_semaphore, #tpu.memory_space<semaphore_mem>>) src(%arg6 : memref<128x128xf32, #tpu.memory_space<vmem>>) dst(%dma_wait3A_102 : memref<128x128xf32, #tpu.memory_space<hbm>>)
      } else {
      }
      %add3A_82 = arith.constant 2 : i32
      %add3A_83 = arith.addi %add3A_59, %add3A_82 : i32
      %lt3A_84 = arith.cmpi slt, %add3A_83, %min3A_25 : i32
      %convert_element_type3A_85 = arith.extui %lt3A_84 : i1 to i32
      %cond3A_86 = arith.constant 0 : i32
      %cond3A_87 = arith.cmpi ne, %convert_element_type3A_85, %cond3A_86 : i32
      scf.if %cond3A_87 {
        %dma_start3A = arith.constant 0 : i32
        %dma_start3A_98 = tpu.memref_slice %arg5[%add3A_83, %dma_start3A] : memref<50x128xi32, #tpu.memory_space<vmem>> -> memref<1x128xi32, #tpu.memory_space<vmem>>
        %dma_start3A_99 = tpu.memref_squeeze %dma_start3A_98 : memref<1x128xi32, #tpu.memory_space<vmem>> -> memref<128xi32, #tpu.memory_space<vmem>>
        %dma_start3A_100 = arith.constant 0 : i32
        %dma_start3A_101 = arith.constant 0 : i32
        %dma_start3A_102 = tpu.memref_slice %arg2[%dma_start3A_100, %dma_start3A_101] : memref<100000x128xf32, #tpu.memory_space<hbm>> -> memref<100000x128xf32, #tpu.memory_space<hbm>>
        tpu.enqueue_indirect_dma source(%dma_start3A_102 : memref<100000x128xf32, #tpu.memory_space<hbm>>) target(%arg6 : memref<128x128xf32, #tpu.memory_space<vmem>>) offsets(%dma_start3A_99 : memref<128xi32, #tpu.memory_space<vmem>>) semaphore(%arg8 : memref<!tpu.dma_semaphore, #tpu.memory_space<semaphore_mem>>)
      } else {
      }
      %lt3A_88 = arith.cmpi slt, %add3A_61, %min3A_25 : i32
      %convert_element_type3A_89 = arith.extui %lt3A_88 : i1 to i32
      %cond3A_90 = arith.constant 0 : i32
      %cond3A_91 = arith.cmpi ne, %convert_element_type3A_89, %cond3A_90 : i32
      scf.if %cond3A_91 {
        %dma_wait3A = arith.constant 0 : i32
        %dma_wait3A_98 = tpu.memref_slice %arg4[%add3A_61, %mul3A_20, %dma_wait3A] : memref<50x1024x128xf32, #tpu.memory_space<hbm>> -> memref<1x128x128xf32, #tpu.memory_space<hbm>>
        %dma_wait3A_99 = tpu.memref_squeeze %dma_wait3A_98 : memref<1x128x128xf32, #tpu.memory_space<hbm>> -> memref<128x128xf32, #tpu.memory_space<hbm>>
        %dma_wait3A_100 = arith.constant 0 : i32
        %dma_wait3A_101 = tpu.memref_slice %arg4[%add3A_61, %mul3A_20, %dma_wait3A_100] : memref<50x1024x128xf32, #tpu.memory_space<hbm>> -> memref<1x128x128xf32, #tpu.memory_space<hbm>>
        %dma_wait3A_102 = tpu.memref_squeeze %dma_wait3A_101 : memref<1x128x128xf32, #tpu.memory_space<hbm>> -> memref<128x128xf32, #tpu.memory_space<hbm>>
        tpu.wait_dma2 semaphore(%arg11 : memref<!tpu.dma_semaphore, #tpu.memory_space<semaphore_mem>>) src(%arg7 : memref<128x128xf32, #tpu.memory_space<vmem>>) dst(%dma_wait3A_102 : memref<128x128xf32, #tpu.memory_space<hbm>>)
      } else {
      }
      %add3A_92 = arith.constant 2 : i32
      %add3A_93 = arith.addi %add3A_61, %add3A_92 : i32
      %lt3A_94 = arith.cmpi slt, %add3A_93, %min3A_25 : i32
      %convert_element_type3A_95 = arith.extui %lt3A_94 : i1 to i32
      %cond3A_96 = arith.constant 0 : i32
      %cond3A_97 = arith.cmpi ne, %convert_element_type3A_95, %cond3A_96 : i32
      scf.if %cond3A_97 {
        %dma_start3A = arith.constant 0 : i32
        %dma_start3A_98 = tpu.memref_slice %arg5[%add3A_93, %dma_start3A] : memref<50x128xi32, #tpu.memory_space<vmem>> -> memref<1x128xi32, #tpu.memory_space<vmem>>
        %dma_start3A_99 = tpu.memref_squeeze %dma_start3A_98 : memref<1x128xi32, #tpu.memory_space<vmem>> -> memref<128xi32, #tpu.memory_space<vmem>>
        %dma_start3A_100 = arith.constant 0 : i32
        %dma_start3A_101 = arith.constant 0 : i32
        %dma_start3A_102 = tpu.memref_slice %arg2[%dma_start3A_100, %dma_start3A_101] : memref<100000x128xf32, #tpu.memory_space<hbm>> -> memref<100000x128xf32, #tpu.memory_space<hbm>>
        tpu.enqueue_indirect_dma source(%dma_start3A_102 : memref<100000x128xf32, #tpu.memory_space<hbm>>) target(%arg7 : memref<128x128xf32, #tpu.memory_space<vmem>>) offsets(%dma_start3A_99 : memref<128xi32, #tpu.memory_space<vmem>>) semaphore(%arg9 : memref<!tpu.dma_semaphore, #tpu.memory_space<semaphore_mem>>)
      } else {
      }
    }
    %scan3A_39 = arith.constant 6 : i32
    %add3A_40 = arith.constant 13 : i32
    %add3A_41 = arith.addi %mul3A_22, %add3A_40 : i32
    %sub3A_42 = arith.constant 1 : i32
    %sub3A_43 = arith.subi %add3A_41, %sub3A_42 : i32
    %lt3A_44 = arith.cmpi slt, %sub3A_43, %min3A_25 : i32
    %convert_element_type3A_45 = arith.extui %lt3A_44 : i1 to i32
    %cond3A_46 = arith.constant 0 : i32
    %cond3A_47 = arith.cmpi ne, %convert_element_type3A_45, %cond3A_46 : i32
    scf.if %cond3A_47 {
      %dma_wait3A = arith.constant 0 : i32
      %dma_wait3A_56 = tpu.memref_slice %arg5[%sub3A_43, %dma_wait3A] : memref<50x128xi32, #tpu.memory_space<vmem>> -> memref<1x128xi32, #tpu.memory_space<vmem>>
      %dma_wait3A_57 = tpu.memref_squeeze %dma_wait3A_56 : memref<1x128xi32, #tpu.memory_space<vmem>> -> memref<128xi32, #tpu.memory_space<vmem>>
      %dma_wait3A_58 = arith.constant 0 : i32
      %dma_wait3A_59 = arith.constant 0 : i32
      %dma_wait3A_60 = tpu.memref_slice %arg2[%dma_wait3A_58, %dma_wait3A_59] : memref<100000x128xf32, #tpu.memory_space<hbm>> -> memref<100000x128xf32, #tpu.memory_space<hbm>>
      tpu.wait_indirect_dma semaphore(%arg8 : memref<!tpu.dma_semaphore, #tpu.memory_space<semaphore_mem>>) src(%dma_wait3A_60 : memref<100000x128xf32, #tpu.memory_space<hbm>>) dst(%arg6 : memref<128x128xf32, #tpu.memory_space<vmem>>)
    } else {
    }
    %lt3A_48 = arith.cmpi slt, %sub3A_43, %min3A_25 : i32
    %convert_element_type3A_49 = arith.extui %lt3A_48 : i1 to i32
    %cond3A_50 = arith.constant 0 : i32
    %cond3A_51 = arith.cmpi ne, %convert_element_type3A_49, %cond3A_50 : i32
    scf.if %cond3A_51 {
      %dma_start3A = arith.constant 0 : i32
      %dma_start3A_56 = tpu.memref_slice %arg4[%sub3A_43, %mul3A_20, %dma_start3A] : memref<50x1024x128xf32, #tpu.memory_space<hbm>> -> memref<1x128x128xf32, #tpu.memory_space<hbm>>
      %dma_start3A_57 = tpu.memref_squeeze %dma_start3A_56 : memref<1x128x128xf32, #tpu.memory_space<hbm>> -> memref<128x128xf32, #tpu.memory_space<hbm>>
      %dma_start3A_58 = arith.constant 0 : i32
      %dma_start3A_59 = tpu.memref_slice %arg4[%sub3A_43, %mul3A_20, %dma_start3A_58] : memref<50x1024x128xf32, #tpu.memory_space<hbm>> -> memref<1x128x128xf32, #tpu.memory_space<hbm>>
      %dma_start3A_60 = tpu.memref_squeeze %dma_start3A_59 : memref<1x128x128xf32, #tpu.memory_space<hbm>> -> memref<128x128xf32, #tpu.memory_space<hbm>>
      tpu.enqueue_dma source(%arg6 : memref<128x128xf32, #tpu.memory_space<vmem>>) target(%dma_start3A_60 : memref<128x128xf32, #tpu.memory_space<hbm>>) target_semaphore(%arg10 : memref<!tpu.dma_semaphore, #tpu.memory_space<semaphore_mem>>)
    } else {
    }
    %lt3A_52 = arith.cmpi slt, %sub3A_43, %min3A_25 : i32
    %convert_element_type3A_53 = arith.extui %lt3A_52 : i1 to i32
    %cond3A_54 = arith.constant 0 : i32
    %cond3A_55 = arith.cmpi ne, %convert_element_type3A_53, %cond3A_54 : i32
    scf.if %cond3A_55 {
      %dma_wait3A = arith.constant 0 : i32
      %dma_wait3A_56 = tpu.memref_slice %arg4[%sub3A_43, %mul3A_20, %dma_wait3A] : memref<50x1024x128xf32, #tpu.memory_space<hbm>> -> memref<1x128x128xf32, #tpu.memory_space<hbm>>
      %dma_wait3A_57 = tpu.memref_squeeze %dma_wait3A_56 : memref<1x128x128xf32, #tpu.memory_space<hbm>> -> memref<128x128xf32, #tpu.memory_space<hbm>>
      %dma_wait3A_58 = arith.constant 0 : i32
      %dma_wait3A_59 = tpu.memref_slice %arg4[%sub3A_43, %mul3A_20, %dma_wait3A_58] : memref<50x1024x128xf32, #tpu.memory_space<hbm>> -> memref<1x128x128xf32, #tpu.memory_space<hbm>>
      %dma_wait3A_60 = tpu.memref_squeeze %dma_wait3A_59 : memref<1x128x128xf32, #tpu.memory_space<hbm>> -> memref<128x128xf32, #tpu.memory_space<hbm>>
      tpu.wait_dma2 semaphore(%arg10 : memref<!tpu.dma_semaphore, #tpu.memory_space<semaphore_mem>>) src(%arg6 : memref<128x128xf32, #tpu.memory_space<vmem>>) dst(%dma_wait3A_60 : memref<128x128xf32, #tpu.memory_space<hbm>>)
    } else {
    }
    return
  }
}

#map = affine_map<(d0, d1) -> (0, 0)>
#map1 = affine_map<(d0, d1) -> (0, 0, 0)>
module attributes {stable_mosaic.version = 14 : i64} {
  func.func @_sc_gather_body(%arg0: i32, %arg1: i32, %arg2: memref<100000x128xf32, #tpu.memory_space<hbm>>, %arg3: memref<50x4096xi32, #tpu.memory_space<hbm>>, %arg4: memref<50x1024x128xf32, #tpu.memory_space<hbm>>, %arg5: memref<50x128xi32, #tpu.memory_space<vmem>>, %arg6: memref<128x128xf32, #tpu.memory_space<vmem>>, %arg7: memref<128x128xf32, #tpu.memory_space<vmem>>, %arg8: memref<!tpu.dma_semaphore, #tpu.memory_space<semaphore_mem>>, %arg9: memref<!tpu.dma_semaphore, #tpu.memory_space<semaphore_mem>>, %arg10: memref<!tpu.dma_semaphore, #tpu.memory_space<semaphore_mem>>, %arg11: memref<!tpu.dma_semaphore, #tpu.memory_space<semaphore_mem>>) attributes {dimension_semantics = [#tpu.dimension_semantics<core_parallel>, #tpu.dimension_semantics<subcore_parallel>], iteration_bounds = array<i64: 2, 16>, scalar_prefetch = 0 : i64, scratch_operands = 7 : i64, tpu.core_type = #tpu.core_type<sc_vector_subcore>, window_params = [{transform_indices = #map}, {transform_indices = #map}, {transform_indices = #map1}]} {
    %mul3A = arith.constant 2 : i32
    %mul3A_0 = arith.muli %arg1, %mul3A : i32
    %add3A = arith.addi %mul3A_0, %arg0 : i32
    %rem3A = arith.constant 8 : i32
    %rem3A_1 = arith.remsi %add3A, %rem3A : i32
    %jit3A = arith.constant 8 : i32
    %div3A = arith.divsi %add3A, %jit3A : i32
    %sign3A = arith.constant 0 : i32
    %sign3A_2 = arith.cmpi sgt, %add3A, %sign3A : i32
    %sign3A_3 = arith.extui %sign3A_2 : i1 to i32
    %sign3A_4 = arith.constant 0 : i32
    %sign3A_5 = arith.cmpi slt, %add3A, %sign3A_4 : i32
    %sign3A_6 = arith.extui %sign3A_5 : i1 to i32
    %sign3A_7 = arith.subi %sign3A_3, %sign3A_6 : i32
    %sign3A_8 = arith.constant 0 : i32
    %sign3A_9 = arith.cmpi sgt, %jit3A, %sign3A_8 : i32
    %sign3A_10 = arith.extui %sign3A_9 : i1 to i32
    %sign3A_11 = arith.constant 0 : i32
    %sign3A_12 = arith.cmpi slt, %jit3A, %sign3A_11 : i32
    %sign3A_13 = arith.extui %sign3A_12 : i1 to i32
    %sign3A_14 = arith.subi %sign3A_10, %sign3A_13 : i32
    %ne3A = arith.cmpi ne, %sign3A_7, %sign3A_14 : i32
    %rem3A_15 = arith.remsi %add3A, %jit3A : i32
    %ne3A_16 = arith.constant 0 : i32
    %ne3A_17 = arith.cmpi ne, %rem3A_15, %ne3A_16 : i32
    %and3A = arith.andi %ne3A, %ne3A_17 : i1
    %sub3A = arith.constant 1 : i32
    %sub3A_18 = arith.subi %div3A, %sub3A : i32
    %select_n3A = arith.select %and3A, %sub3A_18, %div3A : i32
    %mul3A_19 = arith.constant 128 : i32
    %mul3A_20 = arith.muli %rem3A_1, %mul3A_19 : i32
    %mul3A_21 = arith.constant 13 : i32
    %mul3A_22 = arith.muli %select_n3A, %mul3A_21 : i32
    %add3A_23 = arith.constant 13 : i32
    %add3A_24 = arith.addi %mul3A_22, %add3A_23 : i32
    %min3A = arith.constant 50 : i32
    %min3A_25 = arith.minsi %add3A_24, %min3A : i32
    %add3A_26 = arith.constant 3072 : i32
    %add3A_27 = arith.addi %add3A_26, %mul3A_20 : i32
    "tpu.region"() ({
      %run_scoped3A = tpu.sem_alloc : memref<!tpu.dma_semaphore, #tpu.memory_space<semaphore_mem>>
      %dma_start3A = arith.constant 0 : i32
      %dma_start3A_56 = tpu.memref_slice %arg3[%dma_start3A, %add3A_27] : memref<50x4096xi32, #tpu.memory_space<hbm>> -> memref<50x128xi32, #tpu.memory_space<hbm>>
      %dma_start3A_57 = arith.constant 0 : i32
      %dma_start3A_58 = tpu.memref_slice %arg3[%dma_start3A_57, %add3A_27] : memref<50x4096xi32, #tpu.memory_space<hbm>> -> memref<50x128xi32, #tpu.memory_space<hbm>>
      tpu.enqueue_dma source(%dma_start3A_58 : memref<50x128xi32, #tpu.memory_space<hbm>>) target(%arg5 : memref<50x128xi32, #tpu.memory_space<vmem>>) target_semaphore(%run_scoped3A : memref<!tpu.dma_semaphore, #tpu.memory_space<semaphore_mem>>)
      %dma_wait3A = arith.constant 0 : i32
      %dma_wait3A_59 = tpu.memref_slice %arg3[%dma_wait3A, %add3A_27] : memref<50x4096xi32, #tpu.memory_space<hbm>> -> memref<50x128xi32, #tpu.memory_space<hbm>>
      %dma_wait3A_60 = arith.constant 0 : i32
      %dma_wait3A_61 = tpu.memref_slice %arg3[%dma_wait3A_60, %add3A_27] : memref<50x4096xi32, #tpu.memory_space<hbm>> -> memref<50x128xi32, #tpu.memory_space<hbm>>
      tpu.wait_dma2 semaphore(%run_scoped3A : memref<!tpu.dma_semaphore, #tpu.memory_space<semaphore_mem>>) src(%dma_wait3A_61 : memref<50x128xi32, #tpu.memory_space<hbm>>) dst(%arg5 : memref<50x128xi32, #tpu.memory_space<vmem>>)
      tpu.yield
    }) : () -> ()
    %lt3A = arith.cmpi slt, %mul3A_22, %min3A_25 : i32
    %convert_element_type3A = arith.extui %lt3A : i1 to i32
    %cond3A = arith.constant 0 : i32
    %cond3A_28 = arith.cmpi ne, %convert_element_type3A, %cond3A : i32
    scf.if %cond3A_28 {
      %dma_start3A = arith.constant 0 : i32
      %dma_start3A_56 = tpu.memref_slice %arg5[%mul3A_22, %dma_start3A] : memref<50x128xi32, #tpu.memory_space<vmem>> -> memref<1x128xi32, #tpu.memory_space<vmem>>
      %dma_start3A_57 = tpu.memref_squeeze %dma_start3A_56 : memref<1x128xi32, #tpu.memory_space<vmem>> -> memref<128xi32, #tpu.memory_space<vmem>>
      %dma_start3A_58 = arith.constant 0 : i32
      %dma_start3A_59 = arith.constant 0 : i32
      %dma_start3A_60 = tpu.memref_slice %arg2[%dma_start3A_58, %dma_start3A_59] : memref<100000x128xf32, #tpu.memory_space<hbm>> -> memref<100000x128xf32, #tpu.memory_space<hbm>>
      tpu.enqueue_indirect_dma source(%dma_start3A_60 : memref<100000x128xf32, #tpu.memory_space<hbm>>) target(%arg6 : memref<128x128xf32, #tpu.memory_space<vmem>>) offsets(%dma_start3A_57 : memref<128xi32, #tpu.memory_space<vmem>>) semaphore(%arg8 : memref<!tpu.dma_semaphore, #tpu.memory_space<semaphore_mem>>)
    } else {
    }
    %add3A_29 = arith.constant 1 : i32
    %add3A_30 = arith.addi %mul3A_22, %add3A_29 : i32
    %lt3A_31 = arith.cmpi slt, %add3A_30, %min3A_25 : i32
    %convert_element_type3A_32 = arith.extui %lt3A_31 : i1 to i32
    %cond3A_33 = arith.constant 0 : i32
    %cond3A_34 = arith.cmpi ne, %convert_element_type3A_32, %cond3A_33 : i32
    scf.if %cond3A_34 {
      %dma_start3A = arith.constant 0 : i32
      %dma_start3A_56 = tpu.memref_slice %arg5[%add3A_30, %dma_start3A] : memref<50x128xi32, #tpu.memory_space<vmem>> -> memref<1x128xi32, #tpu.memory_space<vmem>>
      %dma_start3A_57 = tpu.memref_squeeze %dma_start3A_56 : memref<1x128xi32, #tpu.memory_space<vmem>> -> memref<128xi32, #tpu.memory_space<vmem>>
      %dma_start3A_58 = arith.constant 0 : i32
      %dma_start3A_59 = arith.constant 0 : i32
      %dma_start3A_60 = tpu.memref_slice %arg2[%dma_start3A_58, %dma_start3A_59] : memref<100000x128xf32, #tpu.memory_space<hbm>> -> memref<100000x128xf32, #tpu.memory_space<hbm>>
      tpu.enqueue_indirect_dma source(%dma_start3A_60 : memref<100000x128xf32, #tpu.memory_space<hbm>>) target(%arg7 : memref<128x128xf32, #tpu.memory_space<vmem>>) offsets(%dma_start3A_57 : memref<128xi32, #tpu.memory_space<vmem>>) semaphore(%arg9 : memref<!tpu.dma_semaphore, #tpu.memory_space<semaphore_mem>>)
    } else {
    }
    %scan3A = arith.constant 0 : i32
    %scan3A_35 = arith.constant 0 : i32
    %scan3A_36 = arith.constant 6 : i32
    %scan3A_37 = arith.addi %scan3A_35, %scan3A_36 : i32
    %scan3A_38 = arith.constant 1 : i32
    scf.for %scan3A_56 = %scan3A_35 to %scan3A_37 step %scan3A_38  : i32 {
      %mul3A_57 = arith.constant 2 : i32
      %mul3A_58 = arith.muli %mul3A_57, %scan3A_56 : i32
      %add3A_59 = arith.addi %mul3A_22, %mul3A_58 : i32
      %add3A_60 = arith.constant 1 : i32
      %add3A_61 = arith.addi %add3A_59, %add3A_60 : i32
      %lt3A_62 = arith.cmpi slt, %add3A_59, %min3A_25 : i32
      %convert_element_type3A_63 = arith.extui %lt3A_62 : i1 to i32
      %cond3A_64 = arith.constant 0 : i32
      %cond3A_65 = arith.cmpi ne, %convert_element_type3A_63, %cond3A_64 : i32
      scf.if %cond3A_65 {
        %dma_wait3A = arith.constant 0 : i32
        %dma_wait3A_98 = tpu.memref_slice %arg5[%add3A_59, %dma_wait3A] : memref<50x128xi32, #tpu.memory_space<vmem>> -> memref<1x128xi32, #tpu.memory_space<vmem>>
        %dma_wait3A_99 = tpu.memref_squeeze %dma_wait3A_98 : memref<1x128xi32, #tpu.memory_space<vmem>> -> memref<128xi32, #tpu.memory_space<vmem>>
        %dma_wait3A_100 = arith.constant 0 : i32
        %dma_wait3A_101 = arith.constant 0 : i32
        %dma_wait3A_102 = tpu.memref_slice %arg2[%dma_wait3A_100, %dma_wait3A_101] : memref<100000x128xf32, #tpu.memory_space<hbm>> -> memref<100000x128xf32, #tpu.memory_space<hbm>>
        tpu.wait_indirect_dma semaphore(%arg8 : memref<!tpu.dma_semaphore, #tpu.memory_space<semaphore_mem>>) src(%dma_wait3A_102 : memref<100000x128xf32, #tpu.memory_space<hbm>>) dst(%arg6 : memref<128x128xf32, #tpu.memory_space<vmem>>)
      } else {
      }
      %lt3A_66 = arith.cmpi slt, %add3A_59, %min3A_25 : i32
      %convert_element_type3A_67 = arith.extui %lt3A_66 : i1 to i32
      %cond3A_68 = arith.constant 0 : i32
      %cond3A_69 = arith.cmpi ne, %convert_element_type3A_67, %cond3A_68 : i32
      scf.if %cond3A_69 {
        %dma_start3A = arith.constant 0 : i32
        %dma_start3A_98 = tpu.memref_slice %arg4[%add3A_59, %mul3A_20, %dma_start3A] : memref<50x1024x128xf32, #tpu.memory_space<hbm>> -> memref<1x128x128xf32, #tpu.memory_space<hbm>>
        %dma_start3A_99 = tpu.memref_squeeze %dma_start3A_98 : memref<1x128x128xf32, #tpu.memory_space<hbm>> -> memref<128x128xf32, #tpu.memory_space<hbm>>
        %dma_start3A_100 = arith.constant 0 : i32
        %dma_start3A_101 = tpu.memref_slice %arg4[%add3A_59, %mul3A_20, %dma_start3A_100] : memref<50x1024x128xf32, #tpu.memory_space<hbm>> -> memref<1x128x128xf32, #tpu.memory_space<hbm>>
        %dma_start3A_102 = tpu.memref_squeeze %dma_start3A_101 : memref<1x128x128xf32, #tpu.memory_space<hbm>> -> memref<128x128xf32, #tpu.memory_space<hbm>>
        tpu.enqueue_dma source(%arg6 : memref<128x128xf32, #tpu.memory_space<vmem>>) target(%dma_start3A_102 : memref<128x128xf32, #tpu.memory_space<hbm>>) target_semaphore(%arg10 : memref<!tpu.dma_semaphore, #tpu.memory_space<semaphore_mem>>)
      } else {
      }
      %lt3A_70 = arith.cmpi slt, %add3A_61, %min3A_25 : i32
      %convert_element_type3A_71 = arith.extui %lt3A_70 : i1 to i32
      %cond3A_72 = arith.constant 0 : i32
      %cond3A_73 = arith.cmpi ne, %convert_element_type3A_71, %cond3A_72 : i32
      scf.if %cond3A_73 {
        %dma_wait3A = arith.constant 0 : i32
        %dma_wait3A_98 = tpu.memref_slice %arg5[%add3A_61, %dma_wait3A] : memref<50x128xi32, #tpu.memory_space<vmem>> -> memref<1x128xi32, #tpu.memory_space<vmem>>
        %dma_wait3A_99 = tpu.memref_squeeze %dma_wait3A_98 : memref<1x128xi32, #tpu.memory_space<vmem>> -> memref<128xi32, #tpu.memory_space<vmem>>
        %dma_wait3A_100 = arith.constant 0 : i32
        %dma_wait3A_101 = arith.constant 0 : i32
        %dma_wait3A_102 = tpu.memref_slice %arg2[%dma_wait3A_100, %dma_wait3A_101] : memref<100000x128xf32, #tpu.memory_space<hbm>> -> memref<100000x128xf32, #tpu.memory_space<hbm>>
        tpu.wait_indirect_dma semaphore(%arg9 : memref<!tpu.dma_semaphore, #tpu.memory_space<semaphore_mem>>) src(%dma_wait3A_102 : memref<100000x128xf32, #tpu.memory_space<hbm>>) dst(%arg7 : memref<128x128xf32, #tpu.memory_space<vmem>>)
      } else {
      }
      %lt3A_74 = arith.cmpi slt, %add3A_61, %min3A_25 : i32
      %convert_element_type3A_75 = arith.extui %lt3A_74 : i1 to i32
      %cond3A_76 = arith.constant 0 : i32
      %cond3A_77 = arith.cmpi ne, %convert_element_type3A_75, %cond3A_76 : i32
      scf.if %cond3A_77 {
        %dma_start3A = arith.constant 0 : i32
        %dma_start3A_98 = tpu.memref_slice %arg4[%add3A_61, %mul3A_20, %dma_start3A] : memref<50x1024x128xf32, #tpu.memory_space<hbm>> -> memref<1x128x128xf32, #tpu.memory_space<hbm>>
        %dma_start3A_99 = tpu.memref_squeeze %dma_start3A_98 : memref<1x128x128xf32, #tpu.memory_space<hbm>> -> memref<128x128xf32, #tpu.memory_space<hbm>>
        %dma_start3A_100 = arith.constant 0 : i32
        %dma_start3A_101 = tpu.memref_slice %arg4[%add3A_61, %mul3A_20, %dma_start3A_100] : memref<50x1024x128xf32, #tpu.memory_space<hbm>> -> memref<1x128x128xf32, #tpu.memory_space<hbm>>
        %dma_start3A_102 = tpu.memref_squeeze %dma_start3A_101 : memref<1x128x128xf32, #tpu.memory_space<hbm>> -> memref<128x128xf32, #tpu.memory_space<hbm>>
        tpu.enqueue_dma source(%arg7 : memref<128x128xf32, #tpu.memory_space<vmem>>) target(%dma_start3A_102 : memref<128x128xf32, #tpu.memory_space<hbm>>) target_semaphore(%arg11 : memref<!tpu.dma_semaphore, #tpu.memory_space<semaphore_mem>>)
      } else {
      }
      %lt3A_78 = arith.cmpi slt, %add3A_59, %min3A_25 : i32
      %convert_element_type3A_79 = arith.extui %lt3A_78 : i1 to i32
      %cond3A_80 = arith.constant 0 : i32
      %cond3A_81 = arith.cmpi ne, %convert_element_type3A_79, %cond3A_80 : i32
      scf.if %cond3A_81 {
        %dma_wait3A = arith.constant 0 : i32
        %dma_wait3A_98 = tpu.memref_slice %arg4[%add3A_59, %mul3A_20, %dma_wait3A] : memref<50x1024x128xf32, #tpu.memory_space<hbm>> -> memref<1x128x128xf32, #tpu.memory_space<hbm>>
        %dma_wait3A_99 = tpu.memref_squeeze %dma_wait3A_98 : memref<1x128x128xf32, #tpu.memory_space<hbm>> -> memref<128x128xf32, #tpu.memory_space<hbm>>
        %dma_wait3A_100 = arith.constant 0 : i32
        %dma_wait3A_101 = tpu.memref_slice %arg4[%add3A_59, %mul3A_20, %dma_wait3A_100] : memref<50x1024x128xf32, #tpu.memory_space<hbm>> -> memref<1x128x128xf32, #tpu.memory_space<hbm>>
        %dma_wait3A_102 = tpu.memref_squeeze %dma_wait3A_101 : memref<1x128x128xf32, #tpu.memory_space<hbm>> -> memref<128x128xf32, #tpu.memory_space<hbm>>
        tpu.wait_dma2 semaphore(%arg10 : memref<!tpu.dma_semaphore, #tpu.memory_space<semaphore_mem>>) src(%arg6 : memref<128x128xf32, #tpu.memory_space<vmem>>) dst(%dma_wait3A_102 : memref<128x128xf32, #tpu.memory_space<hbm>>)
      } else {
      }
      %add3A_82 = arith.constant 2 : i32
      %add3A_83 = arith.addi %add3A_59, %add3A_82 : i32
      %lt3A_84 = arith.cmpi slt, %add3A_83, %min3A_25 : i32
      %convert_element_type3A_85 = arith.extui %lt3A_84 : i1 to i32
      %cond3A_86 = arith.constant 0 : i32
      %cond3A_87 = arith.cmpi ne, %convert_element_type3A_85, %cond3A_86 : i32
      scf.if %cond3A_87 {
        %dma_start3A = arith.constant 0 : i32
        %dma_start3A_98 = tpu.memref_slice %arg5[%add3A_83, %dma_start3A] : memref<50x128xi32, #tpu.memory_space<vmem>> -> memref<1x128xi32, #tpu.memory_space<vmem>>
        %dma_start3A_99 = tpu.memref_squeeze %dma_start3A_98 : memref<1x128xi32, #tpu.memory_space<vmem>> -> memref<128xi32, #tpu.memory_space<vmem>>
        %dma_start3A_100 = arith.constant 0 : i32
        %dma_start3A_101 = arith.constant 0 : i32
        %dma_start3A_102 = tpu.memref_slice %arg2[%dma_start3A_100, %dma_start3A_101] : memref<100000x128xf32, #tpu.memory_space<hbm>> -> memref<100000x128xf32, #tpu.memory_space<hbm>>
        tpu.enqueue_indirect_dma source(%dma_start3A_102 : memref<100000x128xf32, #tpu.memory_space<hbm>>) target(%arg6 : memref<128x128xf32, #tpu.memory_space<vmem>>) offsets(%dma_start3A_99 : memref<128xi32, #tpu.memory_space<vmem>>) semaphore(%arg8 : memref<!tpu.dma_semaphore, #tpu.memory_space<semaphore_mem>>)
      } else {
      }
      %lt3A_88 = arith.cmpi slt, %add3A_61, %min3A_25 : i32
      %convert_element_type3A_89 = arith.extui %lt3A_88 : i1 to i32
      %cond3A_90 = arith.constant 0 : i32
      %cond3A_91 = arith.cmpi ne, %convert_element_type3A_89, %cond3A_90 : i32
      scf.if %cond3A_91 {
        %dma_wait3A = arith.constant 0 : i32
        %dma_wait3A_98 = tpu.memref_slice %arg4[%add3A_61, %mul3A_20, %dma_wait3A] : memref<50x1024x128xf32, #tpu.memory_space<hbm>> -> memref<1x128x128xf32, #tpu.memory_space<hbm>>
        %dma_wait3A_99 = tpu.memref_squeeze %dma_wait3A_98 : memref<1x128x128xf32, #tpu.memory_space<hbm>> -> memref<128x128xf32, #tpu.memory_space<hbm>>
        %dma_wait3A_100 = arith.constant 0 : i32
        %dma_wait3A_101 = tpu.memref_slice %arg4[%add3A_61, %mul3A_20, %dma_wait3A_100] : memref<50x1024x128xf32, #tpu.memory_space<hbm>> -> memref<1x128x128xf32, #tpu.memory_space<hbm>>
        %dma_wait3A_102 = tpu.memref_squeeze %dma_wait3A_101 : memref<1x128x128xf32, #tpu.memory_space<hbm>> -> memref<128x128xf32, #tpu.memory_space<hbm>>
        tpu.wait_dma2 semaphore(%arg11 : memref<!tpu.dma_semaphore, #tpu.memory_space<semaphore_mem>>) src(%arg7 : memref<128x128xf32, #tpu.memory_space<vmem>>) dst(%dma_wait3A_102 : memref<128x128xf32, #tpu.memory_space<hbm>>)
      } else {
      }
      %add3A_92 = arith.constant 2 : i32
      %add3A_93 = arith.addi %add3A_61, %add3A_92 : i32
      %lt3A_94 = arith.cmpi slt, %add3A_93, %min3A_25 : i32
      %convert_element_type3A_95 = arith.extui %lt3A_94 : i1 to i32
      %cond3A_96 = arith.constant 0 : i32
      %cond3A_97 = arith.cmpi ne, %convert_element_type3A_95, %cond3A_96 : i32
      scf.if %cond3A_97 {
        %dma_start3A = arith.constant 0 : i32
        %dma_start3A_98 = tpu.memref_slice %arg5[%add3A_93, %dma_start3A] : memref<50x128xi32, #tpu.memory_space<vmem>> -> memref<1x128xi32, #tpu.memory_space<vmem>>
        %dma_start3A_99 = tpu.memref_squeeze %dma_start3A_98 : memref<1x128xi32, #tpu.memory_space<vmem>> -> memref<128xi32, #tpu.memory_space<vmem>>
        %dma_start3A_100 = arith.constant 0 : i32
        %dma_start3A_101 = arith.constant 0 : i32
        %dma_start3A_102 = tpu.memref_slice %arg2[%dma_start3A_100, %dma_start3A_101] : memref<100000x128xf32, #tpu.memory_space<hbm>> -> memref<100000x128xf32, #tpu.memory_space<hbm>>
        tpu.enqueue_indirect_dma source(%dma_start3A_102 : memref<100000x128xf32, #tpu.memory_space<hbm>>) target(%arg7 : memref<128x128xf32, #tpu.memory_space<vmem>>) offsets(%dma_start3A_99 : memref<128xi32, #tpu.memory_space<vmem>>) semaphore(%arg9 : memref<!tpu.dma_semaphore, #tpu.memory_space<semaphore_mem>>)
      } else {
      }
    }
    %scan3A_39 = arith.constant 6 : i32
    %add3A_40 = arith.constant 13 : i32
    %add3A_41 = arith.addi %mul3A_22, %add3A_40 : i32
    %sub3A_42 = arith.constant 1 : i32
    %sub3A_43 = arith.subi %add3A_41, %sub3A_42 : i32
    %lt3A_44 = arith.cmpi slt, %sub3A_43, %min3A_25 : i32
    %convert_element_type3A_45 = arith.extui %lt3A_44 : i1 to i32
    %cond3A_46 = arith.constant 0 : i32
    %cond3A_47 = arith.cmpi ne, %convert_element_type3A_45, %cond3A_46 : i32
    scf.if %cond3A_47 {
      %dma_wait3A = arith.constant 0 : i32
      %dma_wait3A_56 = tpu.memref_slice %arg5[%sub3A_43, %dma_wait3A] : memref<50x128xi32, #tpu.memory_space<vmem>> -> memref<1x128xi32, #tpu.memory_space<vmem>>
      %dma_wait3A_57 = tpu.memref_squeeze %dma_wait3A_56 : memref<1x128xi32, #tpu.memory_space<vmem>> -> memref<128xi32, #tpu.memory_space<vmem>>
      %dma_wait3A_58 = arith.constant 0 : i32
      %dma_wait3A_59 = arith.constant 0 : i32
      %dma_wait3A_60 = tpu.memref_slice %arg2[%dma_wait3A_58, %dma_wait3A_59] : memref<100000x128xf32, #tpu.memory_space<hbm>> -> memref<100000x128xf32, #tpu.memory_space<hbm>>
      tpu.wait_indirect_dma semaphore(%arg8 : memref<!tpu.dma_semaphore, #tpu.memory_space<semaphore_mem>>) src(%dma_wait3A_60 : memref<100000x128xf32, #tpu.memory_space<hbm>>) dst(%arg6 : memref<128x128xf32, #tpu.memory_space<vmem>>)
    } else {
    }
    %lt3A_48 = arith.cmpi slt, %sub3A_43, %min3A_25 : i32
    %convert_element_type3A_49 = arith.extui %lt3A_48 : i1 to i32
    %cond3A_50 = arith.constant 0 : i32
    %cond3A_51 = arith.cmpi ne, %convert_element_type3A_49, %cond3A_50 : i32
    scf.if %cond3A_51 {
      %dma_start3A = arith.constant 0 : i32
      %dma_start3A_56 = tpu.memref_slice %arg4[%sub3A_43, %mul3A_20, %dma_start3A] : memref<50x1024x128xf32, #tpu.memory_space<hbm>> -> memref<1x128x128xf32, #tpu.memory_space<hbm>>
      %dma_start3A_57 = tpu.memref_squeeze %dma_start3A_56 : memref<1x128x128xf32, #tpu.memory_space<hbm>> -> memref<128x128xf32, #tpu.memory_space<hbm>>
      %dma_start3A_58 = arith.constant 0 : i32
      %dma_start3A_59 = tpu.memref_slice %arg4[%sub3A_43, %mul3A_20, %dma_start3A_58] : memref<50x1024x128xf32, #tpu.memory_space<hbm>> -> memref<1x128x128xf32, #tpu.memory_space<hbm>>
      %dma_start3A_60 = tpu.memref_squeeze %dma_start3A_59 : memref<1x128x128xf32, #tpu.memory_space<hbm>> -> memref<128x128xf32, #tpu.memory_space<hbm>>
      tpu.enqueue_dma source(%arg6 : memref<128x128xf32, #tpu.memory_space<vmem>>) target(%dma_start3A_60 : memref<128x128xf32, #tpu.memory_space<hbm>>) target_semaphore(%arg10 : memref<!tpu.dma_semaphore, #tpu.memory_space<semaphore_mem>>)
    } else {
    }
    %lt3A_52 = arith.cmpi slt, %sub3A_43, %min3A_25 : i32
    %convert_element_type3A_53 = arith.extui %lt3A_52 : i1 to i32
    %cond3A_54 = arith.constant 0 : i32
    %cond3A_55 = arith.cmpi ne, %convert_element_type3A_53, %cond3A_54 : i32
    scf.if %cond3A_55 {
      %dma_wait3A = arith.constant 0 : i32
      %dma_wait3A_56 = tpu.memref_slice %arg4[%sub3A_43, %mul3A_20, %dma_wait3A] : memref<50x1024x128xf32, #tpu.memory_space<hbm>> -> memref<1x128x128xf32, #tpu.memory_space<hbm>>
      %dma_wait3A_57 = tpu.memref_squeeze %dma_wait3A_56 : memref<1x128x128xf32, #tpu.memory_space<hbm>> -> memref<128x128xf32, #tpu.memory_space<hbm>>
      %dma_wait3A_58 = arith.constant 0 : i32
      %dma_wait3A_59 = tpu.memref_slice %arg4[%sub3A_43, %mul3A_20, %dma_wait3A_58] : memref<50x1024x128xf32, #tpu.memory_space<hbm>> -> memref<1x128x128xf32, #tpu.memory_space<hbm>>
      %dma_wait3A_60 = tpu.memref_squeeze %dma_wait3A_59 : memref<1x128x128xf32, #tpu.memory_space<hbm>> -> memref<128x128xf32, #tpu.memory_space<hbm>>
      tpu.wait_dma2 semaphore(%arg10 : memref<!tpu.dma_semaphore, #tpu.memory_space<semaphore_mem>>) src(%arg6 : memref<128x128xf32, #tpu.memory_space<vmem>>) dst(%dma_wait3A_60 : memref<128x128xf32, #tpu.memory_space<hbm>>)
    } else {
    }
    return
  }
}

#map = affine_map<(d0, d1) -> (0, 0)>
#map1 = affine_map<(d0, d1) -> (0, 0, 0)>
module attributes {stable_mosaic.version = 14 : i64} {
  func.func @_sc_gather_body(%arg0: i32, %arg1: i32, %arg2: memref<100000x128xf32, #tpu.memory_space<hbm>>, %arg3: memref<50x4096xi32, #tpu.memory_space<hbm>>, %arg4: memref<50x1024x128xf32, #tpu.memory_space<hbm>>, %arg5: memref<50x128xi32, #tpu.memory_space<vmem>>, %arg6: memref<128x128xf32, #tpu.memory_space<vmem>>, %arg7: memref<128x128xf32, #tpu.memory_space<vmem>>, %arg8: memref<!tpu.dma_semaphore, #tpu.memory_space<semaphore_mem>>, %arg9: memref<!tpu.dma_semaphore, #tpu.memory_space<semaphore_mem>>, %arg10: memref<!tpu.dma_semaphore, #tpu.memory_space<semaphore_mem>>, %arg11: memref<!tpu.dma_semaphore, #tpu.memory_space<semaphore_mem>>) attributes {dimension_semantics = [#tpu.dimension_semantics<core_parallel>, #tpu.dimension_semantics<subcore_parallel>], iteration_bounds = array<i64: 2, 16>, scalar_prefetch = 0 : i64, scratch_operands = 7 : i64, tpu.core_type = #tpu.core_type<sc_vector_subcore>, window_params = [{transform_indices = #map}, {transform_indices = #map}, {transform_indices = #map1}]} {
    %mul3A = arith.constant 2 : i32
    %mul3A_0 = arith.muli %arg1, %mul3A : i32
    %add3A = arith.addi %mul3A_0, %arg0 : i32
    %rem3A = arith.constant 8 : i32
    %rem3A_1 = arith.remsi %add3A, %rem3A : i32
    %jit3A = arith.constant 8 : i32
    %div3A = arith.divsi %add3A, %jit3A : i32
    %sign3A = arith.constant 0 : i32
    %sign3A_2 = arith.cmpi sgt, %add3A, %sign3A : i32
    %sign3A_3 = arith.extui %sign3A_2 : i1 to i32
    %sign3A_4 = arith.constant 0 : i32
    %sign3A_5 = arith.cmpi slt, %add3A, %sign3A_4 : i32
    %sign3A_6 = arith.extui %sign3A_5 : i1 to i32
    %sign3A_7 = arith.subi %sign3A_3, %sign3A_6 : i32
    %sign3A_8 = arith.constant 0 : i32
    %sign3A_9 = arith.cmpi sgt, %jit3A, %sign3A_8 : i32
    %sign3A_10 = arith.extui %sign3A_9 : i1 to i32
    %sign3A_11 = arith.constant 0 : i32
    %sign3A_12 = arith.cmpi slt, %jit3A, %sign3A_11 : i32
    %sign3A_13 = arith.extui %sign3A_12 : i1 to i32
    %sign3A_14 = arith.subi %sign3A_10, %sign3A_13 : i32
    %ne3A = arith.cmpi ne, %sign3A_7, %sign3A_14 : i32
    %rem3A_15 = arith.remsi %add3A, %jit3A : i32
    %ne3A_16 = arith.constant 0 : i32
    %ne3A_17 = arith.cmpi ne, %rem3A_15, %ne3A_16 : i32
    %and3A = arith.andi %ne3A, %ne3A_17 : i1
    %sub3A = arith.constant 1 : i32
    %sub3A_18 = arith.subi %div3A, %sub3A : i32
    %select_n3A = arith.select %and3A, %sub3A_18, %div3A : i32
    %mul3A_19 = arith.constant 128 : i32
    %mul3A_20 = arith.muli %rem3A_1, %mul3A_19 : i32
    %mul3A_21 = arith.constant 13 : i32
    %mul3A_22 = arith.muli %select_n3A, %mul3A_21 : i32
    %add3A_23 = arith.constant 13 : i32
    %add3A_24 = arith.addi %mul3A_22, %add3A_23 : i32
    %min3A = arith.constant 50 : i32
    %min3A_25 = arith.minsi %add3A_24, %min3A : i32
    %add3A_26 = arith.constant 1024 : i32
    %add3A_27 = arith.addi %add3A_26, %mul3A_20 : i32
    "tpu.region"() ({
      %run_scoped3A = tpu.sem_alloc : memref<!tpu.dma_semaphore, #tpu.memory_space<semaphore_mem>>
      %dma_start3A = arith.constant 0 : i32
      %dma_start3A_56 = tpu.memref_slice %arg3[%dma_start3A, %add3A_27] : memref<50x4096xi32, #tpu.memory_space<hbm>> -> memref<50x128xi32, #tpu.memory_space<hbm>>
      %dma_start3A_57 = arith.constant 0 : i32
      %dma_start3A_58 = tpu.memref_slice %arg3[%dma_start3A_57, %add3A_27] : memref<50x4096xi32, #tpu.memory_space<hbm>> -> memref<50x128xi32, #tpu.memory_space<hbm>>
      tpu.enqueue_dma source(%dma_start3A_58 : memref<50x128xi32, #tpu.memory_space<hbm>>) target(%arg5 : memref<50x128xi32, #tpu.memory_space<vmem>>) target_semaphore(%run_scoped3A : memref<!tpu.dma_semaphore, #tpu.memory_space<semaphore_mem>>)
      %dma_wait3A = arith.constant 0 : i32
      %dma_wait3A_59 = tpu.memref_slice %arg3[%dma_wait3A, %add3A_27] : memref<50x4096xi32, #tpu.memory_space<hbm>> -> memref<50x128xi32, #tpu.memory_space<hbm>>
      %dma_wait3A_60 = arith.constant 0 : i32
      %dma_wait3A_61 = tpu.memref_slice %arg3[%dma_wait3A_60, %add3A_27] : memref<50x4096xi32, #tpu.memory_space<hbm>> -> memref<50x128xi32, #tpu.memory_space<hbm>>
      tpu.wait_dma2 semaphore(%run_scoped3A : memref<!tpu.dma_semaphore, #tpu.memory_space<semaphore_mem>>) src(%dma_wait3A_61 : memref<50x128xi32, #tpu.memory_space<hbm>>) dst(%arg5 : memref<50x128xi32, #tpu.memory_space<vmem>>)
      tpu.yield
    }) : () -> ()
    %lt3A = arith.cmpi slt, %mul3A_22, %min3A_25 : i32
    %convert_element_type3A = arith.extui %lt3A : i1 to i32
    %cond3A = arith.constant 0 : i32
    %cond3A_28 = arith.cmpi ne, %convert_element_type3A, %cond3A : i32
    scf.if %cond3A_28 {
      %dma_start3A = arith.constant 0 : i32
      %dma_start3A_56 = tpu.memref_slice %arg5[%mul3A_22, %dma_start3A] : memref<50x128xi32, #tpu.memory_space<vmem>> -> memref<1x128xi32, #tpu.memory_space<vmem>>
      %dma_start3A_57 = tpu.memref_squeeze %dma_start3A_56 : memref<1x128xi32, #tpu.memory_space<vmem>> -> memref<128xi32, #tpu.memory_space<vmem>>
      %dma_start3A_58 = arith.constant 0 : i32
      %dma_start3A_59 = arith.constant 0 : i32
      %dma_start3A_60 = tpu.memref_slice %arg2[%dma_start3A_58, %dma_start3A_59] : memref<100000x128xf32, #tpu.memory_space<hbm>> -> memref<100000x128xf32, #tpu.memory_space<hbm>>
      tpu.enqueue_indirect_dma source(%dma_start3A_60 : memref<100000x128xf32, #tpu.memory_space<hbm>>) target(%arg6 : memref<128x128xf32, #tpu.memory_space<vmem>>) offsets(%dma_start3A_57 : memref<128xi32, #tpu.memory_space<vmem>>) semaphore(%arg8 : memref<!tpu.dma_semaphore, #tpu.memory_space<semaphore_mem>>)
    } else {
    }
    %add3A_29 = arith.constant 1 : i32
    %add3A_30 = arith.addi %mul3A_22, %add3A_29 : i32
    %lt3A_31 = arith.cmpi slt, %add3A_30, %min3A_25 : i32
    %convert_element_type3A_32 = arith.extui %lt3A_31 : i1 to i32
    %cond3A_33 = arith.constant 0 : i32
    %cond3A_34 = arith.cmpi ne, %convert_element_type3A_32, %cond3A_33 : i32
    scf.if %cond3A_34 {
      %dma_start3A = arith.constant 0 : i32
      %dma_start3A_56 = tpu.memref_slice %arg5[%add3A_30, %dma_start3A] : memref<50x128xi32, #tpu.memory_space<vmem>> -> memref<1x128xi32, #tpu.memory_space<vmem>>
      %dma_start3A_57 = tpu.memref_squeeze %dma_start3A_56 : memref<1x128xi32, #tpu.memory_space<vmem>> -> memref<128xi32, #tpu.memory_space<vmem>>
      %dma_start3A_58 = arith.constant 0 : i32
      %dma_start3A_59 = arith.constant 0 : i32
      %dma_start3A_60 = tpu.memref_slice %arg2[%dma_start3A_58, %dma_start3A_59] : memref<100000x128xf32, #tpu.memory_space<hbm>> -> memref<100000x128xf32, #tpu.memory_space<hbm>>
      tpu.enqueue_indirect_dma source(%dma_start3A_60 : memref<100000x128xf32, #tpu.memory_space<hbm>>) target(%arg7 : memref<128x128xf32, #tpu.memory_space<vmem>>) offsets(%dma_start3A_57 : memref<128xi32, #tpu.memory_space<vmem>>) semaphore(%arg9 : memref<!tpu.dma_semaphore, #tpu.memory_space<semaphore_mem>>)
    } else {
    }
    %scan3A = arith.constant 0 : i32
    %scan3A_35 = arith.constant 0 : i32
    %scan3A_36 = arith.constant 6 : i32
    %scan3A_37 = arith.addi %scan3A_35, %scan3A_36 : i32
    %scan3A_38 = arith.constant 1 : i32
    scf.for %scan3A_56 = %scan3A_35 to %scan3A_37 step %scan3A_38  : i32 {
      %mul3A_57 = arith.constant 2 : i32
      %mul3A_58 = arith.muli %mul3A_57, %scan3A_56 : i32
      %add3A_59 = arith.addi %mul3A_22, %mul3A_58 : i32
      %add3A_60 = arith.constant 1 : i32
      %add3A_61 = arith.addi %add3A_59, %add3A_60 : i32
      %lt3A_62 = arith.cmpi slt, %add3A_59, %min3A_25 : i32
      %convert_element_type3A_63 = arith.extui %lt3A_62 : i1 to i32
      %cond3A_64 = arith.constant 0 : i32
      %cond3A_65 = arith.cmpi ne, %convert_element_type3A_63, %cond3A_64 : i32
      scf.if %cond3A_65 {
        %dma_wait3A = arith.constant 0 : i32
        %dma_wait3A_98 = tpu.memref_slice %arg5[%add3A_59, %dma_wait3A] : memref<50x128xi32, #tpu.memory_space<vmem>> -> memref<1x128xi32, #tpu.memory_space<vmem>>
        %dma_wait3A_99 = tpu.memref_squeeze %dma_wait3A_98 : memref<1x128xi32, #tpu.memory_space<vmem>> -> memref<128xi32, #tpu.memory_space<vmem>>
        %dma_wait3A_100 = arith.constant 0 : i32
        %dma_wait3A_101 = arith.constant 0 : i32
        %dma_wait3A_102 = tpu.memref_slice %arg2[%dma_wait3A_100, %dma_wait3A_101] : memref<100000x128xf32, #tpu.memory_space<hbm>> -> memref<100000x128xf32, #tpu.memory_space<hbm>>
        tpu.wait_indirect_dma semaphore(%arg8 : memref<!tpu.dma_semaphore, #tpu.memory_space<semaphore_mem>>) src(%dma_wait3A_102 : memref<100000x128xf32, #tpu.memory_space<hbm>>) dst(%arg6 : memref<128x128xf32, #tpu.memory_space<vmem>>)
      } else {
      }
      %lt3A_66 = arith.cmpi slt, %add3A_59, %min3A_25 : i32
      %convert_element_type3A_67 = arith.extui %lt3A_66 : i1 to i32
      %cond3A_68 = arith.constant 0 : i32
      %cond3A_69 = arith.cmpi ne, %convert_element_type3A_67, %cond3A_68 : i32
      scf.if %cond3A_69 {
        %dma_start3A = arith.constant 0 : i32
        %dma_start3A_98 = tpu.memref_slice %arg4[%add3A_59, %mul3A_20, %dma_start3A] : memref<50x1024x128xf32, #tpu.memory_space<hbm>> -> memref<1x128x128xf32, #tpu.memory_space<hbm>>
        %dma_start3A_99 = tpu.memref_squeeze %dma_start3A_98 : memref<1x128x128xf32, #tpu.memory_space<hbm>> -> memref<128x128xf32, #tpu.memory_space<hbm>>
        %dma_start3A_100 = arith.constant 0 : i32
        %dma_start3A_101 = tpu.memref_slice %arg4[%add3A_59, %mul3A_20, %dma_start3A_100] : memref<50x1024x128xf32, #tpu.memory_space<hbm>> -> memref<1x128x128xf32, #tpu.memory_space<hbm>>
        %dma_start3A_102 = tpu.memref_squeeze %dma_start3A_101 : memref<1x128x128xf32, #tpu.memory_space<hbm>> -> memref<128x128xf32, #tpu.memory_space<hbm>>
        tpu.enqueue_dma source(%arg6 : memref<128x128xf32, #tpu.memory_space<vmem>>) target(%dma_start3A_102 : memref<128x128xf32, #tpu.memory_space<hbm>>) target_semaphore(%arg10 : memref<!tpu.dma_semaphore, #tpu.memory_space<semaphore_mem>>)
      } else {
      }
      %lt3A_70 = arith.cmpi slt, %add3A_61, %min3A_25 : i32
      %convert_element_type3A_71 = arith.extui %lt3A_70 : i1 to i32
      %cond3A_72 = arith.constant 0 : i32
      %cond3A_73 = arith.cmpi ne, %convert_element_type3A_71, %cond3A_72 : i32
      scf.if %cond3A_73 {
        %dma_wait3A = arith.constant 0 : i32
        %dma_wait3A_98 = tpu.memref_slice %arg5[%add3A_61, %dma_wait3A] : memref<50x128xi32, #tpu.memory_space<vmem>> -> memref<1x128xi32, #tpu.memory_space<vmem>>
        %dma_wait3A_99 = tpu.memref_squeeze %dma_wait3A_98 : memref<1x128xi32, #tpu.memory_space<vmem>> -> memref<128xi32, #tpu.memory_space<vmem>>
        %dma_wait3A_100 = arith.constant 0 : i32
        %dma_wait3A_101 = arith.constant 0 : i32
        %dma_wait3A_102 = tpu.memref_slice %arg2[%dma_wait3A_100, %dma_wait3A_101] : memref<100000x128xf32, #tpu.memory_space<hbm>> -> memref<100000x128xf32, #tpu.memory_space<hbm>>
        tpu.wait_indirect_dma semaphore(%arg9 : memref<!tpu.dma_semaphore, #tpu.memory_space<semaphore_mem>>) src(%dma_wait3A_102 : memref<100000x128xf32, #tpu.memory_space<hbm>>) dst(%arg7 : memref<128x128xf32, #tpu.memory_space<vmem>>)
      } else {
      }
      %lt3A_74 = arith.cmpi slt, %add3A_61, %min3A_25 : i32
      %convert_element_type3A_75 = arith.extui %lt3A_74 : i1 to i32
      %cond3A_76 = arith.constant 0 : i32
      %cond3A_77 = arith.cmpi ne, %convert_element_type3A_75, %cond3A_76 : i32
      scf.if %cond3A_77 {
        %dma_start3A = arith.constant 0 : i32
        %dma_start3A_98 = tpu.memref_slice %arg4[%add3A_61, %mul3A_20, %dma_start3A] : memref<50x1024x128xf32, #tpu.memory_space<hbm>> -> memref<1x128x128xf32, #tpu.memory_space<hbm>>
        %dma_start3A_99 = tpu.memref_squeeze %dma_start3A_98 : memref<1x128x128xf32, #tpu.memory_space<hbm>> -> memref<128x128xf32, #tpu.memory_space<hbm>>
        %dma_start3A_100 = arith.constant 0 : i32
        %dma_start3A_101 = tpu.memref_slice %arg4[%add3A_61, %mul3A_20, %dma_start3A_100] : memref<50x1024x128xf32, #tpu.memory_space<hbm>> -> memref<1x128x128xf32, #tpu.memory_space<hbm>>
        %dma_start3A_102 = tpu.memref_squeeze %dma_start3A_101 : memref<1x128x128xf32, #tpu.memory_space<hbm>> -> memref<128x128xf32, #tpu.memory_space<hbm>>
        tpu.enqueue_dma source(%arg7 : memref<128x128xf32, #tpu.memory_space<vmem>>) target(%dma_start3A_102 : memref<128x128xf32, #tpu.memory_space<hbm>>) target_semaphore(%arg11 : memref<!tpu.dma_semaphore, #tpu.memory_space<semaphore_mem>>)
      } else {
      }
      %lt3A_78 = arith.cmpi slt, %add3A_59, %min3A_25 : i32
      %convert_element_type3A_79 = arith.extui %lt3A_78 : i1 to i32
      %cond3A_80 = arith.constant 0 : i32
      %cond3A_81 = arith.cmpi ne, %convert_element_type3A_79, %cond3A_80 : i32
      scf.if %cond3A_81 {
        %dma_wait3A = arith.constant 0 : i32
        %dma_wait3A_98 = tpu.memref_slice %arg4[%add3A_59, %mul3A_20, %dma_wait3A] : memref<50x1024x128xf32, #tpu.memory_space<hbm>> -> memref<1x128x128xf32, #tpu.memory_space<hbm>>
        %dma_wait3A_99 = tpu.memref_squeeze %dma_wait3A_98 : memref<1x128x128xf32, #tpu.memory_space<hbm>> -> memref<128x128xf32, #tpu.memory_space<hbm>>
        %dma_wait3A_100 = arith.constant 0 : i32
        %dma_wait3A_101 = tpu.memref_slice %arg4[%add3A_59, %mul3A_20, %dma_wait3A_100] : memref<50x1024x128xf32, #tpu.memory_space<hbm>> -> memref<1x128x128xf32, #tpu.memory_space<hbm>>
        %dma_wait3A_102 = tpu.memref_squeeze %dma_wait3A_101 : memref<1x128x128xf32, #tpu.memory_space<hbm>> -> memref<128x128xf32, #tpu.memory_space<hbm>>
        tpu.wait_dma2 semaphore(%arg10 : memref<!tpu.dma_semaphore, #tpu.memory_space<semaphore_mem>>) src(%arg6 : memref<128x128xf32, #tpu.memory_space<vmem>>) dst(%dma_wait3A_102 : memref<128x128xf32, #tpu.memory_space<hbm>>)
      } else {
      }
      %add3A_82 = arith.constant 2 : i32
      %add3A_83 = arith.addi %add3A_59, %add3A_82 : i32
      %lt3A_84 = arith.cmpi slt, %add3A_83, %min3A_25 : i32
      %convert_element_type3A_85 = arith.extui %lt3A_84 : i1 to i32
      %cond3A_86 = arith.constant 0 : i32
      %cond3A_87 = arith.cmpi ne, %convert_element_type3A_85, %cond3A_86 : i32
      scf.if %cond3A_87 {
        %dma_start3A = arith.constant 0 : i32
        %dma_start3A_98 = tpu.memref_slice %arg5[%add3A_83, %dma_start3A] : memref<50x128xi32, #tpu.memory_space<vmem>> -> memref<1x128xi32, #tpu.memory_space<vmem>>
        %dma_start3A_99 = tpu.memref_squeeze %dma_start3A_98 : memref<1x128xi32, #tpu.memory_space<vmem>> -> memref<128xi32, #tpu.memory_space<vmem>>
        %dma_start3A_100 = arith.constant 0 : i32
        %dma_start3A_101 = arith.constant 0 : i32
        %dma_start3A_102 = tpu.memref_slice %arg2[%dma_start3A_100, %dma_start3A_101] : memref<100000x128xf32, #tpu.memory_space<hbm>> -> memref<100000x128xf32, #tpu.memory_space<hbm>>
        tpu.enqueue_indirect_dma source(%dma_start3A_102 : memref<100000x128xf32, #tpu.memory_space<hbm>>) target(%arg6 : memref<128x128xf32, #tpu.memory_space<vmem>>) offsets(%dma_start3A_99 : memref<128xi32, #tpu.memory_space<vmem>>) semaphore(%arg8 : memref<!tpu.dma_semaphore, #tpu.memory_space<semaphore_mem>>)
      } else {
      }
      %lt3A_88 = arith.cmpi slt, %add3A_61, %min3A_25 : i32
      %convert_element_type3A_89 = arith.extui %lt3A_88 : i1 to i32
      %cond3A_90 = arith.constant 0 : i32
      %cond3A_91 = arith.cmpi ne, %convert_element_type3A_89, %cond3A_90 : i32
      scf.if %cond3A_91 {
        %dma_wait3A = arith.constant 0 : i32
        %dma_wait3A_98 = tpu.memref_slice %arg4[%add3A_61, %mul3A_20, %dma_wait3A] : memref<50x1024x128xf32, #tpu.memory_space<hbm>> -> memref<1x128x128xf32, #tpu.memory_space<hbm>>
        %dma_wait3A_99 = tpu.memref_squeeze %dma_wait3A_98 : memref<1x128x128xf32, #tpu.memory_space<hbm>> -> memref<128x128xf32, #tpu.memory_space<hbm>>
        %dma_wait3A_100 = arith.constant 0 : i32
        %dma_wait3A_101 = tpu.memref_slice %arg4[%add3A_61, %mul3A_20, %dma_wait3A_100] : memref<50x1024x128xf32, #tpu.memory_space<hbm>> -> memref<1x128x128xf32, #tpu.memory_space<hbm>>
        %dma_wait3A_102 = tpu.memref_squeeze %dma_wait3A_101 : memref<1x128x128xf32, #tpu.memory_space<hbm>> -> memref<128x128xf32, #tpu.memory_space<hbm>>
        tpu.wait_dma2 semaphore(%arg11 : memref<!tpu.dma_semaphore, #tpu.memory_space<semaphore_mem>>) src(%arg7 : memref<128x128xf32, #tpu.memory_space<vmem>>) dst(%dma_wait3A_102 : memref<128x128xf32, #tpu.memory_space<hbm>>)
      } else {
      }
      %add3A_92 = arith.constant 2 : i32
      %add3A_93 = arith.addi %add3A_61, %add3A_92 : i32
      %lt3A_94 = arith.cmpi slt, %add3A_93, %min3A_25 : i32
      %convert_element_type3A_95 = arith.extui %lt3A_94 : i1 to i32
      %cond3A_96 = arith.constant 0 : i32
      %cond3A_97 = arith.cmpi ne, %convert_element_type3A_95, %cond3A_96 : i32
      scf.if %cond3A_97 {
        %dma_start3A = arith.constant 0 : i32
        %dma_start3A_98 = tpu.memref_slice %arg5[%add3A_93, %dma_start3A] : memref<50x128xi32, #tpu.memory_space<vmem>> -> memref<1x128xi32, #tpu.memory_space<vmem>>
        %dma_start3A_99 = tpu.memref_squeeze %dma_start3A_98 : memref<1x128xi32, #tpu.memory_space<vmem>> -> memref<128xi32, #tpu.memory_space<vmem>>
        %dma_start3A_100 = arith.constant 0 : i32
        %dma_start3A_101 = arith.constant 0 : i32
        %dma_start3A_102 = tpu.memref_slice %arg2[%dma_start3A_100, %dma_start3A_101] : memref<100000x128xf32, #tpu.memory_space<hbm>> -> memref<100000x128xf32, #tpu.memory_space<hbm>>
        tpu.enqueue_indirect_dma source(%dma_start3A_102 : memref<100000x128xf32, #tpu.memory_space<hbm>>) target(%arg7 : memref<128x128xf32, #tpu.memory_space<vmem>>) offsets(%dma_start3A_99 : memref<128xi32, #tpu.memory_space<vmem>>) semaphore(%arg9 : memref<!tpu.dma_semaphore, #tpu.memory_space<semaphore_mem>>)
      } else {
      }
    }
    %scan3A_39 = arith.constant 6 : i32
    %add3A_40 = arith.constant 13 : i32
    %add3A_41 = arith.addi %mul3A_22, %add3A_40 : i32
    %sub3A_42 = arith.constant 1 : i32
    %sub3A_43 = arith.subi %add3A_41, %sub3A_42 : i32
    %lt3A_44 = arith.cmpi slt, %sub3A_43, %min3A_25 : i32
    %convert_element_type3A_45 = arith.extui %lt3A_44 : i1 to i32
    %cond3A_46 = arith.constant 0 : i32
    %cond3A_47 = arith.cmpi ne, %convert_element_type3A_45, %cond3A_46 : i32
    scf.if %cond3A_47 {
      %dma_wait3A = arith.constant 0 : i32
      %dma_wait3A_56 = tpu.memref_slice %arg5[%sub3A_43, %dma_wait3A] : memref<50x128xi32, #tpu.memory_space<vmem>> -> memref<1x128xi32, #tpu.memory_space<vmem>>
      %dma_wait3A_57 = tpu.memref_squeeze %dma_wait3A_56 : memref<1x128xi32, #tpu.memory_space<vmem>> -> memref<128xi32, #tpu.memory_space<vmem>>
      %dma_wait3A_58 = arith.constant 0 : i32
      %dma_wait3A_59 = arith.constant 0 : i32
      %dma_wait3A_60 = tpu.memref_slice %arg2[%dma_wait3A_58, %dma_wait3A_59] : memref<100000x128xf32, #tpu.memory_space<hbm>> -> memref<100000x128xf32, #tpu.memory_space<hbm>>
      tpu.wait_indirect_dma semaphore(%arg8 : memref<!tpu.dma_semaphore, #tpu.memory_space<semaphore_mem>>) src(%dma_wait3A_60 : memref<100000x128xf32, #tpu.memory_space<hbm>>) dst(%arg6 : memref<128x128xf32, #tpu.memory_space<vmem>>)
    } else {
    }
    %lt3A_48 = arith.cmpi slt, %sub3A_43, %min3A_25 : i32
    %convert_element_type3A_49 = arith.extui %lt3A_48 : i1 to i32
    %cond3A_50 = arith.constant 0 : i32
    %cond3A_51 = arith.cmpi ne, %convert_element_type3A_49, %cond3A_50 : i32
    scf.if %cond3A_51 {
      %dma_start3A = arith.constant 0 : i32
      %dma_start3A_56 = tpu.memref_slice %arg4[%sub3A_43, %mul3A_20, %dma_start3A] : memref<50x1024x128xf32, #tpu.memory_space<hbm>> -> memref<1x128x128xf32, #tpu.memory_space<hbm>>
      %dma_start3A_57 = tpu.memref_squeeze %dma_start3A_56 : memref<1x128x128xf32, #tpu.memory_space<hbm>> -> memref<128x128xf32, #tpu.memory_space<hbm>>
      %dma_start3A_58 = arith.constant 0 : i32
      %dma_start3A_59 = tpu.memref_slice %arg4[%sub3A_43, %mul3A_20, %dma_start3A_58] : memref<50x1024x128xf32, #tpu.memory_space<hbm>> -> memref<1x128x128xf32, #tpu.memory_space<hbm>>
      %dma_start3A_60 = tpu.memref_squeeze %dma_start3A_59 : memref<1x128x128xf32, #tpu.memory_space<hbm>> -> memref<128x128xf32, #tpu.memory_space<hbm>>
      tpu.enqueue_dma source(%arg6 : memref<128x128xf32, #tpu.memory_space<vmem>>) target(%dma_start3A_60 : memref<128x128xf32, #tpu.memory_space<hbm>>) target_semaphore(%arg10 : memref<!tpu.dma_semaphore, #tpu.memory_space<semaphore_mem>>)
    } else {
    }
    %lt3A_52 = arith.cmpi slt, %sub3A_43, %min3A_25 : i32
    %convert_element_type3A_53 = arith.extui %lt3A_52 : i1 to i32
    %cond3A_54 = arith.constant 0 : i32
    %cond3A_55 = arith.cmpi ne, %convert_element_type3A_53, %cond3A_54 : i32
    scf.if %cond3A_55 {
      %dma_wait3A = arith.constant 0 : i32
      %dma_wait3A_56 = tpu.memref_slice %arg4[%sub3A_43, %mul3A_20, %dma_wait3A] : memref<50x1024x128xf32, #tpu.memory_space<hbm>> -> memref<1x128x128xf32, #tpu.memory_space<hbm>>
      %dma_wait3A_57 = tpu.memref_squeeze %dma_wait3A_56 : memref<1x128x128xf32, #tpu.memory_space<hbm>> -> memref<128x128xf32, #tpu.memory_space<hbm>>
      %dma_wait3A_58 = arith.constant 0 : i32
      %dma_wait3A_59 = tpu.memref_slice %arg4[%sub3A_43, %mul3A_20, %dma_wait3A_58] : memref<50x1024x128xf32, #tpu.memory_space<hbm>> -> memref<1x128x128xf32, #tpu.memory_space<hbm>>
      %dma_wait3A_60 = tpu.memref_squeeze %dma_wait3A_59 : memref<1x128x128xf32, #tpu.memory_space<hbm>> -> memref<128x128xf32, #tpu.memory_space<hbm>>
      tpu.wait_dma2 semaphore(%arg10 : memref<!tpu.dma_semaphore, #tpu.memory_space<semaphore_mem>>) src(%arg6 : memref<128x128xf32, #tpu.memory_space<vmem>>) dst(%dma_wait3A_60 : memref<128x128xf32, #tpu.memory_space<hbm>>)
    } else {
    }
    return
  }
}

module attributes {stable_mosaic.version = 14 : i64} {
  func.func @_tc_body_next(%arg0: i32, %arg1: memref<50x128x128xf32, #tpu.memory_space<vmem>>, %arg2: memref<128x128xf32, #tpu.memory_space<vmem>>, %arg3: memref<128x128xf32, #tpu.memory_space<vmem>>, %arg4: memref<50x4096x128xf32, #tpu.memory_space<any>>, %arg5: memref<50x128x128xf32, #tpu.memory_space<vmem>>) attributes {dimension_semantics = [#tpu.dimension_semantics<arbitrary>], iteration_bounds = array<i64: 8>, scalar_prefetch = 0 : i64, scratch_operands = 0 : i64, tpu.core_type = #tpu.core_type<tc>, window_params = [{transform_indices = @transform_0, window_bounds = array<i64: 50, 128, 128>}, {pipeline_mode = #tpu.pipeline_mode<synchronous>, transform_indices = @transform_1, window_bounds = array<i64: 128, 128>}, {pipeline_mode = #tpu.pipeline_mode<synchronous>, transform_indices = @transform_2, window_bounds = array<i64: 128, 128>}, {}, {transform_indices = @transform_4, window_bounds = array<i64: 50, 128, 128>}]} {
    %get3A = arith.constant 0 : index
    %get3A_0 = arith.constant 0 : index
    %get3A_1 = arith.constant 0 : index
    %get3A_2 = vector.load %arg1[%get3A, %get3A_0, %get3A_1] : memref<50x128x128xf32, #tpu.memory_space<vmem>>, vector<50x128x128xf32>
    %reduce_max3A = arith.constant dense<0xFF800000> : vector<128x128xf32>
    %reduce_max3A_3 = vector.multi_reduction <maximumf>, %get3A_2, %reduce_max3A [0] : vector<50x128x128xf32> to vector<128x128xf32>
    %reshape3A = vector.shape_cast %get3A_2 : vector<50x128x128xf32> to vector<6400x128xf32>
    %get3A_4 = arith.constant 0 : index
    %get3A_5 = arith.constant 0 : index
    %get3A_6 = vector.load %arg3[%get3A_4, %get3A_5] : memref<128x128xf32, #tpu.memory_space<vmem>>, vector<128x128xf32>
    %dot_general3A = arith.constant dense<0.000000e+00> : vector<128x128xf32>
    %dot_general3A_7 = tpu.matmul %reduce_max3A_3, %get3A_6, %dot_general3A {dimension_numbers = #tpu.dot_dimension_numbers<[1], [1], [0], [0], [0, 0, 1, 0], [], []>, transpose_lhs_hint = false} : vector<128x128xf32>, vector<128x128xf32>, vector<128x128xf32> -> vector<128x128xf32>
    %get3A_8 = arith.constant 0 : index
    %get3A_9 = arith.constant 0 : index
    %get3A_10 = vector.load %arg2[%get3A_8, %get3A_9] : memref<128x128xf32, #tpu.memory_space<vmem>>, vector<128x128xf32>
    %dot_general3A_11 = arith.constant dense<0.000000e+00> : vector<6400x128xf32>
    %dot_general3A_12 = tpu.matmul %reshape3A, %get3A_10, %dot_general3A_11 {dimension_numbers = #tpu.dot_dimension_numbers<[1], [1], [0], [0], [0, 0, 1, 0], [], []>, transpose_lhs_hint = false} : vector<6400x128xf32>, vector<128x128xf32>, vector<6400x128xf32> -> vector<6400x128xf32>
    %reshape3A_13 = vector.shape_cast %dot_general3A_12 : vector<6400x128xf32> to vector<50x128x128xf32>
    %broadcast_in_dim3A = vector.shape_cast %dot_general3A_7 : vector<128x128xf32> to vector<1x128x128xf32>
    %add3A = vector.broadcast %broadcast_in_dim3A : vector<1x128x128xf32> to vector<50x128x128xf32>
    %add3A_14 = arith.addf %reshape3A_13, %add3A : vector<50x128x128xf32>
    %mul3A = arith.constant 5.000000e-01 : f32
    %mul3A_15 = vector.broadcast %mul3A : f32 to vector<50x128x128xf32>
    %mul3A_16 = arith.mulf %mul3A_15, %add3A_14 : vector<50x128x128xf32>
    %tanh3A = math.tanh %mul3A_16 : vector<50x128x128xf32>
    %mul3A_17 = arith.constant 5.000000e-01 : f32
    %mul3A_18 = vector.broadcast %mul3A_17 : f32 to vector<50x128x128xf32>
    %mul3A_19 = arith.mulf %mul3A_18, %tanh3A : vector<50x128x128xf32>
    %add3A_20 = arith.constant 5.000000e-01 : f32
    %add3A_21 = vector.broadcast %add3A_20 : f32 to vector<50x128x128xf32>
    %add3A_22 = arith.addf %mul3A_19, %add3A_21 : vector<50x128x128xf32>
    %swap3A = arith.constant 0 : index
    %swap3A_23 = arith.constant 0 : index
    %swap3A_24 = arith.constant 0 : index
    %swap3A_25 = vector.load %arg5[%swap3A, %swap3A_23, %swap3A_24] : memref<50x128x128xf32, #tpu.memory_space<vmem>>, vector<50x128x128xf32>
    tpu.vector_store %arg5[%swap3A, %swap3A_23, %swap3A_24], %add3A_22 {strides = array<i32>} : memref<50x128x128xf32, #tpu.memory_space<vmem>>, vector<50x128x128xf32>,
    return
  }
  func.func @transform_0(%arg0: i32) -> (i32, i32, i32) {
    %c0_i32 = arith.constant 0 : i32
    %c0_i32_0 = arith.constant 0 : i32
    %c0_i32_1 = arith.constant 0 : i32
    return %c0_i32, %arg0, %c0_i32_0 : i32, i32, i32
  }
  func.func @transform_1(%arg0: i32) -> (i32, i32) {
    %c0_i32 = arith.constant 0 : i32
    %c0_i32_0 = arith.constant 0 : i32
    %c0_i32_1 = arith.constant 0 : i32
    return %c0_i32, %c0_i32_0 : i32, i32
  }
  func.func @transform_2(%arg0: i32) -> (i32, i32) {
    %c0_i32 = arith.constant 0 : i32
    %c0_i32_0 = arith.constant 0 : i32
    %c0_i32_1 = arith.constant 0 : i32
    return %c0_i32, %c0_i32_0 : i32, i32
  }
  func.func @transform_4(%arg0: i32) -> (i32, i32, i32) {
    %add3A = arith.constant 24 : i32
    %add3A_0 = arith.addi %add3A, %arg0 : i32
    %c0_i32 = arith.constant 0 : i32
    %c0_i32_1 = arith.constant 0 : i32
    %c0_i32_2 = arith.constant 0 : i32
    return %c0_i32, %add3A_0, %c0_i32_1 : i32, i32, i32
  }
}

module attributes {stable_mosaic.version = 14 : i64} {
  func.func @_tc_body_first(%arg0: i32, %arg1: memref<50x128x128xf32, #tpu.memory_space<vmem>>, %arg2: memref<128x128xf32, #tpu.memory_space<vmem>>, %arg3: memref<128x128xf32, #tpu.memory_space<vmem>>, %arg4: memref<50x128x128xf32, #tpu.memory_space<vmem>>) attributes {dimension_semantics = [#tpu.dimension_semantics<arbitrary>], iteration_bounds = array<i64: 8>, scalar_prefetch = 0 : i64, scratch_operands = 0 : i64, tpu.core_type = #tpu.core_type<tc>, window_params = [{transform_indices = @transform_0, window_bounds = array<i64: 50, 128, 128>}, {pipeline_mode = #tpu.pipeline_mode<synchronous>, transform_indices = @transform_1, window_bounds = array<i64: 128, 128>}, {pipeline_mode = #tpu.pipeline_mode<synchronous>, transform_indices = @transform_2, window_bounds = array<i64: 128, 128>}, {transform_indices = @transform_3, window_bounds = array<i64: 50, 128, 128>}]} {
    %get3A = arith.constant 0 : index
    %get3A_0 = arith.constant 0 : index
    %get3A_1 = arith.constant 0 : index
    %get3A_2 = vector.load %arg1[%get3A, %get3A_0, %get3A_1] : memref<50x128x128xf32, #tpu.memory_space<vmem>>, vector<50x128x128xf32>
    %reduce_max3A = arith.constant dense<0xFF800000> : vector<128x128xf32>
    %reduce_max3A_3 = vector.multi_reduction <maximumf>, %get3A_2, %reduce_max3A [0] : vector<50x128x128xf32> to vector<128x128xf32>
    %reshape3A = vector.shape_cast %get3A_2 : vector<50x128x128xf32> to vector<6400x128xf32>
    %get3A_4 = arith.constant 0 : index
    %get3A_5 = arith.constant 0 : index
    %get3A_6 = vector.load %arg3[%get3A_4, %get3A_5] : memref<128x128xf32, #tpu.memory_space<vmem>>, vector<128x128xf32>
    %dot_general3A = arith.constant dense<0.000000e+00> : vector<128x128xf32>
    %dot_general3A_7 = tpu.matmul %reduce_max3A_3, %get3A_6, %dot_general3A {dimension_numbers = #tpu.dot_dimension_numbers<[1], [1], [0], [0], [0, 0, 1, 0], [], []>, transpose_lhs_hint = false} : vector<128x128xf32>, vector<128x128xf32>, vector<128x128xf32> -> vector<128x128xf32>
    %get3A_8 = arith.constant 0 : index
    %get3A_9 = arith.constant 0 : index
    %get3A_10 = vector.load %arg2[%get3A_8, %get3A_9] : memref<128x128xf32, #tpu.memory_space<vmem>>, vector<128x128xf32>
    %dot_general3A_11 = arith.constant dense<0.000000e+00> : vector<6400x128xf32>
    %dot_general3A_12 = tpu.matmul %reshape3A, %get3A_10, %dot_general3A_11 {dimension_numbers = #tpu.dot_dimension_numbers<[1], [1], [0], [0], [0, 0, 1, 0], [], []>, transpose_lhs_hint = false} : vector<6400x128xf32>, vector<128x128xf32>, vector<6400x128xf32> -> vector<6400x128xf32>
    %reshape3A_13 = vector.shape_cast %dot_general3A_12 : vector<6400x128xf32> to vector<50x128x128xf32>
    %broadcast_in_dim3A = vector.shape_cast %dot_general3A_7 : vector<128x128xf32> to vector<1x128x128xf32>
    %add3A = vector.broadcast %broadcast_in_dim3A : vector<1x128x128xf32> to vector<50x128x128xf32>
    %add3A_14 = arith.addf %reshape3A_13, %add3A : vector<50x128x128xf32>
    %mul3A = arith.constant 5.000000e-01 : f32
    %mul3A_15 = vector.broadcast %mul3A : f32 to vector<50x128x128xf32>
    %mul3A_16 = arith.mulf %mul3A_15, %add3A_14 : vector<50x128x128xf32>
    %tanh3A = math.tanh %mul3A_16 : vector<50x128x128xf32>
    %mul3A_17 = arith.constant 5.000000e-01 : f32
    %mul3A_18 = vector.broadcast %mul3A_17 : f32 to vector<50x128x128xf32>
    %mul3A_19 = arith.mulf %mul3A_18, %tanh3A : vector<50x128x128xf32>
    %add3A_20 = arith.constant 5.000000e-01 : f32
    %add3A_21 = vector.broadcast %add3A_20 : f32 to vector<50x128x128xf32>
    %add3A_22 = arith.addf %mul3A_19, %add3A_21 : vector<50x128x128xf32>
    %swap3A = arith.constant 0 : index
    %swap3A_23 = arith.constant 0 : index
    %swap3A_24 = arith.constant 0 : index
    %swap3A_25 = vector.load %arg4[%swap3A, %swap3A_23, %swap3A_24] : memref<50x128x128xf32, #tpu.memory_space<vmem>>, vector<50x128x128xf32>
    tpu.vector_store %arg4[%swap3A, %swap3A_23, %swap3A_24], %add3A_22 {strides = array<i32>} : memref<50x128x128xf32, #tpu.memory_space<vmem>>, vector<50x128x128xf32>,
    return
  }
  func.func @transform_0(%arg0: i32) -> (i32, i32, i32) {
    %c0_i32 = arith.constant 0 : i32
    %c0_i32_0 = arith.constant 0 : i32
    %c0_i32_1 = arith.constant 0 : i32
    return %c0_i32, %arg0, %c0_i32_0 : i32, i32, i32
  }
  func.func @transform_1(%arg0: i32) -> (i32, i32) {
    %c0_i32 = arith.constant 0 : i32
    %c0_i32_0 = arith.constant 0 : i32
    %c0_i32_1 = arith.constant 0 : i32
    return %c0_i32, %c0_i32_0 : i32, i32
  }
  func.func @transform_2(%arg0: i32) -> (i32, i32) {
    %c0_i32 = arith.constant 0 : i32
    %c0_i32_0 = arith.constant 0 : i32
    %c0_i32_1 = arith.constant 0 : i32
    return %c0_i32, %c0_i32_0 : i32, i32
  }
  func.func @transform_3(%arg0: i32) -> (i32, i32, i32) {
    %add3A = arith.constant 0 : i32
    %add3A_0 = arith.addi %add3A, %arg0 : i32
    %c0_i32 = arith.constant 0 : i32
    %c0_i32_1 = arith.constant 0 : i32
    %c0_i32_2 = arith.constant 0 : i32
    return %c0_i32, %add3A_0, %c0_i32_1 : i32, i32, i32
  }
}

module attributes {stable_mosaic.version = 14 : i64} {
  func.func @_tc_body_next(%arg0: i32, %arg1: memref<50x128x128xf32, #tpu.memory_space<vmem>>, %arg2: memref<128x128xf32, #tpu.memory_space<vmem>>, %arg3: memref<128x128xf32, #tpu.memory_space<vmem>>, %arg4: memref<50x4096x128xf32, #tpu.memory_space<any>>, %arg5: memref<50x128x128xf32, #tpu.memory_space<vmem>>) attributes {dimension_semantics = [#tpu.dimension_semantics<arbitrary>], iteration_bounds = array<i64: 8>, scalar_prefetch = 0 : i64, scratch_operands = 0 : i64, tpu.core_type = #tpu.core_type<tc>, window_params = [{transform_indices = @transform_0, window_bounds = array<i64: 50, 128, 128>}, {pipeline_mode = #tpu.pipeline_mode<synchronous>, transform_indices = @transform_1, window_bounds = array<i64: 128, 128>}, {pipeline_mode = #tpu.pipeline_mode<synchronous>, transform_indices = @transform_2, window_bounds = array<i64: 128, 128>}, {}, {transform_indices = @transform_4, window_bounds = array<i64: 50, 128, 128>}]} {
    %get3A = arith.constant 0 : index
    %get3A_0 = arith.constant 0 : index
    %get3A_1 = arith.constant 0 : index
    %get3A_2 = vector.load %arg1[%get3A, %get3A_0, %get3A_1] : memref<50x128x128xf32, #tpu.memory_space<vmem>>, vector<50x128x128xf32>
    %reduce_max3A = arith.constant dense<0xFF800000> : vector<128x128xf32>
    %reduce_max3A_3 = vector.multi_reduction <maximumf>, %get3A_2, %reduce_max3A [0] : vector<50x128x128xf32> to vector<128x128xf32>
    %reshape3A = vector.shape_cast %get3A_2 : vector<50x128x128xf32> to vector<6400x128xf32>
    %get3A_4 = arith.constant 0 : index
    %get3A_5 = arith.constant 0 : index
    %get3A_6 = vector.load %arg3[%get3A_4, %get3A_5] : memref<128x128xf32, #tpu.memory_space<vmem>>, vector<128x128xf32>
    %dot_general3A = arith.constant dense<0.000000e+00> : vector<128x128xf32>
    %dot_general3A_7 = tpu.matmul %reduce_max3A_3, %get3A_6, %dot_general3A {dimension_numbers = #tpu.dot_dimension_numbers<[1], [1], [0], [0], [0, 0, 1, 0], [], []>, transpose_lhs_hint = false} : vector<128x128xf32>, vector<128x128xf32>, vector<128x128xf32> -> vector<128x128xf32>
    %get3A_8 = arith.constant 0 : index
    %get3A_9 = arith.constant 0 : index
    %get3A_10 = vector.load %arg2[%get3A_8, %get3A_9] : memref<128x128xf32, #tpu.memory_space<vmem>>, vector<128x128xf32>
    %dot_general3A_11 = arith.constant dense<0.000000e+00> : vector<6400x128xf32>
    %dot_general3A_12 = tpu.matmul %reshape3A, %get3A_10, %dot_general3A_11 {dimension_numbers = #tpu.dot_dimension_numbers<[1], [1], [0], [0], [0, 0, 1, 0], [], []>, transpose_lhs_hint = false} : vector<6400x128xf32>, vector<128x128xf32>, vector<6400x128xf32> -> vector<6400x128xf32>
    %reshape3A_13 = vector.shape_cast %dot_general3A_12 : vector<6400x128xf32> to vector<50x128x128xf32>
    %broadcast_in_dim3A = vector.shape_cast %dot_general3A_7 : vector<128x128xf32> to vector<1x128x128xf32>
    %add3A = vector.broadcast %broadcast_in_dim3A : vector<1x128x128xf32> to vector<50x128x128xf32>
    %add3A_14 = arith.addf %reshape3A_13, %add3A : vector<50x128x128xf32>
    %mul3A = arith.constant 5.000000e-01 : f32
    %mul3A_15 = vector.broadcast %mul3A : f32 to vector<50x128x128xf32>
    %mul3A_16 = arith.mulf %mul3A_15, %add3A_14 : vector<50x128x128xf32>
    %tanh3A = math.tanh %mul3A_16 : vector<50x128x128xf32>
    %mul3A_17 = arith.constant 5.000000e-01 : f32
    %mul3A_18 = vector.broadcast %mul3A_17 : f32 to vector<50x128x128xf32>
    %mul3A_19 = arith.mulf %mul3A_18, %tanh3A : vector<50x128x128xf32>
    %add3A_20 = arith.constant 5.000000e-01 : f32
    %add3A_21 = vector.broadcast %add3A_20 : f32 to vector<50x128x128xf32>
    %add3A_22 = arith.addf %mul3A_19, %add3A_21 : vector<50x128x128xf32>
    %swap3A = arith.constant 0 : index
    %swap3A_23 = arith.constant 0 : index
    %swap3A_24 = arith.constant 0 : index
    %swap3A_25 = vector.load %arg5[%swap3A, %swap3A_23, %swap3A_24] : memref<50x128x128xf32, #tpu.memory_space<vmem>>, vector<50x128x128xf32>
    tpu.vector_store %arg5[%swap3A, %swap3A_23, %swap3A_24], %add3A_22 {strides = array<i32>} : memref<50x128x128xf32, #tpu.memory_space<vmem>>, vector<50x128x128xf32>,
    return
  }
  func.func @transform_0(%arg0: i32) -> (i32, i32, i32) {
    %c0_i32 = arith.constant 0 : i32
    %c0_i32_0 = arith.constant 0 : i32
    %c0_i32_1 = arith.constant 0 : i32
    return %c0_i32, %arg0, %c0_i32_0 : i32, i32, i32
  }
  func.func @transform_1(%arg0: i32) -> (i32, i32) {
    %c0_i32 = arith.constant 0 : i32
    %c0_i32_0 = arith.constant 0 : i32
    %c0_i32_1 = arith.constant 0 : i32
    return %c0_i32, %c0_i32_0 : i32, i32
  }
  func.func @transform_2(%arg0: i32) -> (i32, i32) {
    %c0_i32 = arith.constant 0 : i32
    %c0_i32_0 = arith.constant 0 : i32
    %c0_i32_1 = arith.constant 0 : i32
    return %c0_i32, %c0_i32_0 : i32, i32
  }
  func.func @transform_4(%arg0: i32) -> (i32, i32, i32) {
    %add3A = arith.constant 16 : i32
    %add3A_0 = arith.addi %add3A, %arg0 : i32
    %c0_i32 = arith.constant 0 : i32
    %c0_i32_1 = arith.constant 0 : i32
    %c0_i32_2 = arith.constant 0 : i32
    return %c0_i32, %add3A_0, %c0_i32_1 : i32, i32, i32
  }
}

module attributes {stable_mosaic.version = 14 : i64} {
  func.func @_tc_body_next(%arg0: i32, %arg1: memref<50x128x128xf32, #tpu.memory_space<vmem>>, %arg2: memref<128x128xf32, #tpu.memory_space<vmem>>, %arg3: memref<128x128xf32, #tpu.memory_space<vmem>>, %arg4: memref<50x4096x128xf32, #tpu.memory_space<any>>, %arg5: memref<50x128x128xf32, #tpu.memory_space<vmem>>) attributes {dimension_semantics = [#tpu.dimension_semantics<arbitrary>], iteration_bounds = array<i64: 8>, scalar_prefetch = 0 : i64, scratch_operands = 0 : i64, tpu.core_type = #tpu.core_type<tc>, window_params = [{transform_indices = @transform_0, window_bounds = array<i64: 50, 128, 128>}, {pipeline_mode = #tpu.pipeline_mode<synchronous>, transform_indices = @transform_1, window_bounds = array<i64: 128, 128>}, {pipeline_mode = #tpu.pipeline_mode<synchronous>, transform_indices = @transform_2, window_bounds = array<i64: 128, 128>}, {}, {transform_indices = @transform_4, window_bounds = array<i64: 50, 128, 128>}]} {
    %get3A = arith.constant 0 : index
    %get3A_0 = arith.constant 0 : index
    %get3A_1 = arith.constant 0 : index
    %get3A_2 = vector.load %arg1[%get3A, %get3A_0, %get3A_1] : memref<50x128x128xf32, #tpu.memory_space<vmem>>, vector<50x128x128xf32>
    %reduce_max3A = arith.constant dense<0xFF800000> : vector<128x128xf32>
    %reduce_max3A_3 = vector.multi_reduction <maximumf>, %get3A_2, %reduce_max3A [0] : vector<50x128x128xf32> to vector<128x128xf32>
    %reshape3A = vector.shape_cast %get3A_2 : vector<50x128x128xf32> to vector<6400x128xf32>
    %get3A_4 = arith.constant 0 : index
    %get3A_5 = arith.constant 0 : index
    %get3A_6 = vector.load %arg3[%get3A_4, %get3A_5] : memref<128x128xf32, #tpu.memory_space<vmem>>, vector<128x128xf32>
    %dot_general3A = arith.constant dense<0.000000e+00> : vector<128x128xf32>
    %dot_general3A_7 = tpu.matmul %reduce_max3A_3, %get3A_6, %dot_general3A {dimension_numbers = #tpu.dot_dimension_numbers<[1], [1], [0], [0], [0, 0, 1, 0], [], []>, transpose_lhs_hint = false} : vector<128x128xf32>, vector<128x128xf32>, vector<128x128xf32> -> vector<128x128xf32>
    %get3A_8 = arith.constant 0 : index
    %get3A_9 = arith.constant 0 : index
    %get3A_10 = vector.load %arg2[%get3A_8, %get3A_9] : memref<128x128xf32, #tpu.memory_space<vmem>>, vector<128x128xf32>
    %dot_general3A_11 = arith.constant dense<0.000000e+00> : vector<6400x128xf32>
    %dot_general3A_12 = tpu.matmul %reshape3A, %get3A_10, %dot_general3A_11 {dimension_numbers = #tpu.dot_dimension_numbers<[1], [1], [0], [0], [0, 0, 1, 0], [], []>, transpose_lhs_hint = false} : vector<6400x128xf32>, vector<128x128xf32>, vector<6400x128xf32> -> vector<6400x128xf32>
    %reshape3A_13 = vector.shape_cast %dot_general3A_12 : vector<6400x128xf32> to vector<50x128x128xf32>
    %broadcast_in_dim3A = vector.shape_cast %dot_general3A_7 : vector<128x128xf32> to vector<1x128x128xf32>
    %add3A = vector.broadcast %broadcast_in_dim3A : vector<1x128x128xf32> to vector<50x128x128xf32>
    %add3A_14 = arith.addf %reshape3A_13, %add3A : vector<50x128x128xf32>
    %mul3A = arith.constant 5.000000e-01 : f32
    %mul3A_15 = vector.broadcast %mul3A : f32 to vector<50x128x128xf32>
    %mul3A_16 = arith.mulf %mul3A_15, %add3A_14 : vector<50x128x128xf32>
    %tanh3A = math.tanh %mul3A_16 : vector<50x128x128xf32>
    %mul3A_17 = arith.constant 5.000000e-01 : f32
    %mul3A_18 = vector.broadcast %mul3A_17 : f32 to vector<50x128x128xf32>
    %mul3A_19 = arith.mulf %mul3A_18, %tanh3A : vector<50x128x128xf32>
    %add3A_20 = arith.constant 5.000000e-01 : f32
    %add3A_21 = vector.broadcast %add3A_20 : f32 to vector<50x128x128xf32>
    %add3A_22 = arith.addf %mul3A_19, %add3A_21 : vector<50x128x128xf32>
    %swap3A = arith.constant 0 : index
    %swap3A_23 = arith.constant 0 : index
    %swap3A_24 = arith.constant 0 : index
    %swap3A_25 = vector.load %arg5[%swap3A, %swap3A_23, %swap3A_24] : memref<50x128x128xf32, #tpu.memory_space<vmem>>, vector<50x128x128xf32>
    tpu.vector_store %arg5[%swap3A, %swap3A_23, %swap3A_24], %add3A_22 {strides = array<i32>} : memref<50x128x128xf32, #tpu.memory_space<vmem>>, vector<50x128x128xf32>,
    return
  }
  func.func @transform_0(%arg0: i32) -> (i32, i32, i32) {
    %c0_i32 = arith.constant 0 : i32
    %c0_i32_0 = arith.constant 0 : i32
    %c0_i32_1 = arith.constant 0 : i32
    return %c0_i32, %arg0, %c0_i32_0 : i32, i32, i32
  }
  func.func @transform_1(%arg0: i32) -> (i32, i32) {
    %c0_i32 = arith.constant 0 : i32
    %c0_i32_0 = arith.constant 0 : i32
    %c0_i32_1 = arith.constant 0 : i32
    return %c0_i32, %c0_i32_0 : i32, i32
  }
  func.func @transform_2(%arg0: i32) -> (i32, i32) {
    %c0_i32 = arith.constant 0 : i32
    %c0_i32_0 = arith.constant 0 : i32
    %c0_i32_1 = arith.constant 0 : i32
    return %c0_i32, %c0_i32_0 : i32, i32
  }
  func.func @transform_4(%arg0: i32) -> (i32, i32, i32) {
    %add3A = arith.constant 8 : i32
    %add3A_0 = arith.addi %add3A, %arg0 : i32
    %c0_i32 = arith.constant 0 : i32
    %c0_i32_1 = arith.constant 0 : i32
    %c0_i32_2 = arith.constant 0 : i32
    return %c0_i32, %add3A_0, %c0_i32_1 : i32, i32, i32
  }
}

</mosaic_0001>

<sc_bundles>
// kernel: kernel.10.cloned.1.call-start
scs
__scs_entry_jumppad:
0x0: {  	(pc) =	sbr.rel $0x88, $3  }
0x1: {  	(tag) =	ssettag $0x0;
	lr =	simm.s32 $0x1  }
0x2: {  	[smem:$0x3F9D] =	sst lr;
	_ =	strace $0xD0000000  }
0x3: {  	_ = 	snop  }
0x4: {  	_ = 	snop  }
0x5: {  	_ = 	snop  }
0x6: {  	_ = 	snop  }
0x7: {  	_ = 	snop  }
__scs_overlays_trampoline_lowered:
0x8: {  	[smem:$0x3FAC] =	sst s0  }
0x9: {  	[smem:$0x3FAD] =	sst s1  }
0xa: {  	[smem:$0x3FAE] =	sst s2  }
0xb: {  	[smem:$0x3FAF] =	sst s3  }
0xc: {  	[smem:$0x3FB0] =	sst s4  }
0xd: {  	[smem:$0x3FB1] =	sst s5  }
0xe: {  	[smem:$0x3FB2] =	sst s6  }
0xf: {  	[smem:$0x3FB3] =	sst s7  }
0x10: {  	[smem:$0x3FB4] =	sst s8  }
0x11: {  	[smem:$0x3FB5] =	sst s9;
	s0 =	simm.s32 @!p0 $0x0  }
0x12: {  	s1 =	sld [smem:$0x3F9B];
	s0 =	simm.s32 @p0 $0x1  }
0x13: {  	[smem:$0x3FB6] =	sst s0;
	s0 =	simm.s32 @!p1 $0x0  }
0x14: {  	s2 =	sld [smem:$0x3F9A];
	s0 =	simm.s32 @p1 $0x1  }
0x15: {  	[smem:$0x3FB7] =	sst s0;
	s0 =	simm.s32 @!p2 $0x0  }
0x16: {  	s3 =	sld [smem:$0x3FDB];
	s0 =	simm.s32 @p2 $0x1  }
0x17: {  	s4 =	simm.s32 $0x1BF5;
	[smem:$0x3FB9] =	sst s0  }
0x18: {  	s0 =	sld [smem:$0x3F9C];
	_ =	swait.ge [sflag:s4], $0x0  }
0x19: {  	s7 =	sld [smem:$0x3F9D]  }
0x1a: {  	s8 =	sadd.s32 $0xFFFFE003, lr  }
0x1b: {  	s9 =	sadd.s32 $0xFFFFFEF7, lr;
	s5 =	simm.s32 $0xFFFFFFFF;
	p2 =	slt.u32 s8, $0xFFFFF086  }
0x1c: {  	p1 =	slt.u32 s9, $0xF7A;
	s5 =	simm.s32 @!p2 $0x0  }
0x1d: {  	s5 =	simm.s32 @p1 $0x1;
	p0 =	seq.s32 s7, s2  }
0x1e: {  	s7 =	smul.u32 @!p0 $0xF7A, s2;
	p2 =	seq.s32 @!p0 s5, $0x0  }
0x1f: {  	s9 =	smul.u32 $0xF7A, s1;
	s8 =	simm.s32 @!p0 $0x1BF5;
	p2 =	por !p2, p0  }
0x20: {  	[sflag:s8] =	ssyncset.s32 @!p0 $0xFFFFF086;
	s6 =	sadd.s32 @!p0 s3, s7;
	s7 =	simm.s32 @!p0 $0x108  }
0x21: {  	s3 =	sadd.s32 s3, s9;
	s6 =	sadd.s32 @!p0 $0x88, s6;
	s7 =	simm.s32 @p2 $0x1082  }
0x22: {  	[simem:s7], [sflag:s8] =	dma.local @!p0 [hbm:s6], $0xF7A  }
0x23: {  	s9 =	sor.u32 $0xD0000000, s2;
	s6 =	simm.s32 $0x108;
	_ =	swait.ge @!p0 [sflag:s8], $0x0  }
0x24: {  	s3 =	sadd.s32 $0x88, s3;
	s6 =	simm.s32 @!p1 $0x1082;
	[sflag:s4] =	ssyncset.s32 $0xFFFFF086  }
0x25: {  	[simem:s6], [sflag:s4] =	dma.local [hbm:s3], $0xF7A  }
0x26: {  	[smem:$0x3F9D] =	sst s1;
	(tag) =	ssettag s2;
	_ =	strace s9  }
0x27: {  	s1 =	sld [smem:$0x3FAD]  }
0x28: {  	s2 =	sld [smem:$0x3FAE]  }
0x29: {  	s4 =	sld [smem:$0x3FB0]  }
0x2a: {  	p0 =	seq.s32 s5, $0x0;
	s5 =	sld [smem:$0x3FB1]  }
0x2b: {  	s6 =	sld [smem:$0x3FB2]  }
0x2c: {  	s7 =	sld [smem:$0x3FB3]  }
0x2d: {  	s3 =	simm.s32 $0x108;
	s8 =	sld [smem:$0x3FB4]  }
0x2e: {  	s3 =	simm.s32 @!p0 $0x1082;
	s9 =	sld [smem:$0x3FB5]  }
0x2f: {  	lr =	sadd.s32 s0, s3;
	s0 =	sld [smem:$0x3FAC]  }
0x30: {  	s3 =	sld [smem:$0x3FAF]  }
0x31: {  	[smem:$0x3FB8] =	sst s10  }
0x32: {  	s10 =	sld [smem:$0x3FB6];
	_ =	sdelay $0x3  }
0x33: {  	p0 =	seq.s32 s10, $0x1;
	s10 =	sld [smem:$0x3FB8];
	_ =	sdelay $0x3  }
0x34: {  	[smem:$0x3FB8] =	sst s10  }
0x35: {  	s10 =	sld [smem:$0x3FB7];
	_ =	sdelay $0x3  }
0x36: {  	p1 =	seq.s32 s10, $0x1;
	s10 =	sld [smem:$0x3FB8];
	_ =	sdelay $0x3  }
0x37: {  	[smem:$0x3FB8] =	sst s10  }
0x38: {  	s10 =	sld [smem:$0x3FB9]  }
0x39: {  	_ = 	snop;
	(pc) =	sbr.ind lr, $3  }
0x3a: {  	_ = 	snop  }
0x3b: {  	_ = 	snop  }
0x3c: {  	p2 =	seq.s32 s10, $0x1;
	s10 =	sld [smem:$0x3FB8]  }
0x3d: {  	_ =	shalt  }
0x3e: {  	_ =	shalt  }
0x3f: {  	_ =	shalt  }
0x40: {  	_ =	shalt  }
0x41: {  	_ =	shalt  }
0x42: {  	_ =	shalt  }
0x43: {  	_ =	shalt  }
0x44: {  	_ =	shalt  }
0x45: {  	_ =	shalt  }
0x46: {  	_ =	shalt  }
0x47: {  	_ =	shalt  }
0x48: {  	_ =	shalt  }
0x49: {  	_ =	shalt  }
0x4a: {  	_ =	shalt  }
0x4b: {  	_ =	shalt  }
0x4c: {  	_ =	shalt  }
0x4d: {  	_ =	shalt  }
0x4e: {  	_ =	shalt  }
0x4f: {  	_ =	shalt  }
0x50: {  	_ =	shalt  }
0x51: {  	_ =	shalt  }
0x52: {  	_ =	shalt  }
0x53: {  	_ =	shalt  }
0x54: {  	_ =	shalt  }
0x55: {  	_ =	shalt  }
0x56: {  	_ =	shalt  }
0x57: {  	_ =	shalt  }
0x58: {  	_ =	shalt  }
0x59: {  	_ =	shalt  }
0x5a: {  	_ =	shalt  }
0x5b: {  	_ =	shalt  }
0x5c: {  	_ =	shalt  }
0x5d: {  	_ =	shalt  }
0x5e: {  	_ =	shalt  }
0x5f: {  	_ =	shalt  }
0x60: {  	_ =	shalt  }
0x61: {  	_ =	shalt  }
0x62: {  	_ =	shalt  }
0x63: {  	_ =	shalt  }
0x64: {  	_ =	shalt  }
0x65: {  	_ =	shalt  }
0x66: {  	_ =	shalt  }
0x67: {  	_ =	shalt  }
0x68: {  	_ =	shalt  }
0x69: {  	_ =	shalt  }
0x6a: {  	_ =	shalt  }
0x6b: {  	_ =	shalt  }
0x6c: {  	_ =	shalt  }
0x6d: {  	_ =	shalt  }
0x6e: {  	_ =	shalt  }
0x6f: {  	_ =	shalt  }
0x70: {  	_ =	shalt  }
0x71: {  	_ =	shalt  }
0x72: {  	_ =	shalt  }
0x73: {  	_ =	shalt  }
0x74: {  	_ =	shalt  }
0x75: {  	_ =	shalt  }
0x76: {  	_ =	shalt  }
0x77: {  	_ =	shalt  }
0x78: {  	_ =	shalt  }
0x79: {  	_ =	shalt  }
0x7a: {  	_ =	shalt  }
0x7b: {  	_ =	shalt  }
0x7c: {  	_ =	shalt  }
0x7d: {  	_ =	shalt  }
0x7e: {  	_ =	shalt  }
0x7f: {  	_ =	shalt  }
0x80: {  	_ =	shalt  }
0x81: {  	_ =	shalt  }
0x82: {  	_ =	shalt  }
0x83: {  	_ =	shalt  }
0x84: {  	_ =	shalt  }
0x85: {  	_ =	shalt  }
0x86: {  	_ =	shalt  }
0x87: {  	_ =	shalt  }
.Lfunc_end0:
.L_simem_size_0:
called_computation_lowered:
.L_overlay_start_0:
0x88: {  	s2 =	sld [smem:$0x3FD9]  }
0x89: {  	s3 =	sld [smem:$0x3FFE];
	_ =	sdelay $0x1  }
0x8a: {  	s1 =	srdreg.scid  }
0x8b: {  	s0 =	sand.u32 $0x1, s1  }
0x8c: {  	s17 =	sshll.u32 s0, $0xA;
	s2 =	sadd.s32 s3, s2  }
0x8d: {  	s2 =	sadd.s32 s2, s17  }
0x8e: {  	[smem:$0x3FC4] =	sst s2  }
0x8f: {  	_ = 	snop  }
0x90: {  	s2 =	sld [smem:$0x3FC9]  }
0x91: {  	s18 =	sld [smem:$0x3FC8];
	(tm) =	ssettm $0x1  }
0x92: {  	s4 =	sld [smem:$0x3FFB];
	_ =	sdelay $0x3  }
0x93: {  	_ =	strace s4  }
0x94: {  	s4 =	sld [smem:$0x3FFC];
	_ =	sdelay $0x3  }
0x95: {  	_ =	strace s4  }
0x96: {  	s4 =	sld [smem:$0x3FFD];
	_ =	sdelay $0x3  }
0x97: {  	_ =	strace s4  }
0x98: {  	_ =	strace $0x8FFFFFFF  }
0x99: {  	s19 =	sld [smem:$0x3FDB];
	_ =	sdelay $0x1  }
0x9a: {  	s5 =	simm.s32 $_scs_section_size  }
0x9b: {  	s6 =	simm.s32 $_size__tile_overlayer_lowered;
	s7 =	simm.s32 $_tile_overlayer_lowered  }
0x9c: {  	s22 =	simm.s32 $0x1BFF;
	s21 =	sshll.u32 s7, $0x1;
	s4 =	sadd.s32 s5, s19  }
0x9d: {  	s8 =	simm.s32 $0x0;
	s20 =	sshll.u32 s6, $0x1;
	s6 =	sadd.s32 s21, s4  }
0x9e: {  	[timem:s8], [sflag:s22] =	dma.local [hbm:s6], s20  }
0x9f: {  	_ =	swait.ge [sflag:s22], s20  }
0xa0: {  	s5 =	ssub.s32 $0x0, s20;
	[sflag:s22] =	ssyncset.done $0x0  }
0xa1: {  	[sflag:s22] =	ssyncadd.s32 s5;
	_ =	sdelay $0x1  }
0xa2: {  	s23 =	simm.s32 $0x1B8B  }
0xa3: {  	_ =	swait.ge [sflag:s23], $0x1  }
0xa4: {  	[sflag:s23] =	ssyncset.done $0x0  }
0xa5: {  	s25 =	simm.s32 $0x1B8E;
	s24 =	sld [smem:$0x3FFE];
	[sflag:s23] =	ssyncadd.s32 $0xFFFFFFFF  }
0xa6: {  	s26 =	simm.s32 $execute0_lowered;
	[smem:$0x3FD2] =	sst s25  }
0xa7: {  	s6 =	sshll.u32 s26, $0x1;
	_ =	strace $0x80000046;
	[dreg:$0x1] =	wrdreg $0xFFFFFFFF  }
0xa8: {  	s28 =	simm.s32 $_size_execute0_lowered;
	s4 =	sadd.s32 s4, s6;
	[dreg:$0x0] =	wrdreg $0x0  }
0xa9: {  	s6 =	sshll.u32 s28, $0x1;
	[dreg:$0x2] =	wrdreg s4  }
0xaa: {  	[dreg:$0x3] =	wrdreg s6  }
0xab: {  	[dreg:$0x4] =	wrdreg $0xC0  }
0xac: {  	_ =	task [dreg:s8], $0x5FFFF  }
0xad: {  	[dreg:$0x1] =	wrdreg $0xFFFFFFFF  }
0xae: {  	[dreg:$0x0] =	wrdreg $0x60  }
0xaf: {  	[dreg:$0x2] =	wrdreg s18  }
0xb0: {  	[dreg:$0x3] =	wrdreg s2  }
0xb1: {  	[dreg:$0x4] =	wrdreg s24  }
0xb2: {  	[dreg:$0x5] =	wrdreg $0x9  }
0xb3: {  	_ =	task.clear_ibuf [dreg:s8], $0x6FFFF;
	_ =	strace $0x90000046  }
0xb4: {  	s29 =	simm.s32 $0x9;
	_ =	strace $0x80000048  }
0xb5: {  	_ =	swait.ge [sflag:s29], $0x1  }
0xb6: {  	[sflag:s29] =	ssyncadd.s32 $0xFFFFFFFF  }
0xb7: {  	_ =	strace $0x90000048  }
0xb8: {  	_ =	sfence  }
0xb9: {  	s30 =	sld [smem:$0x0];
	_ =	sdelay $0x2  }
0xba: {  	s31 =	sshll.u32 s1, $0xD;
	s1 =	sshrl.u32 s1, $0x2  }
0xbb: {  	s3 =	sand.u32 $0x4000, s31;
	s1 =	sadd.s32 s1, s30  }
0xbc: {  	s0 =	sor.u32 s3, s0;
	s1 =	sshll.u32 s1, $0x11  }
0xbd: {  	s0 =	sor.u32 s1, s0  }
0xbe: {  	s0 =	sadd.s32 $0x8F2B, s0  }
0xbf: {  	[sflag:s0] =	ssyncadd.remote.s32 $0x1  }
0xc0: {  	_ =	sfence.sel $0xFFFF  }
0xc1: {  	[dreg:$0x0] =	wrdreg $0xFFFFFFFF;
	(pc) =	sbr.abs _section_cstart, $3  }
0xc2: {  	[dreg:$0x1] =	wrdreg $0xFFFFFFFF  }
0xc3: {  	_ =	task.clear_ibuf [dreg:s8], $0x2FFFF;
	_ =	strace $0x9FFFFFFF  }
0xc4: {  	(tm) =	ssettm $0x7FFFFFFF  }
0xc5: {  	_ =	shalt  }
tec
execute0_lowered:
.L_overlay_start_1:
0x0: {  	(tag) =	ssettag $0x1  }
0x1: {  	s1 =	rddreg [dreg:$0x0]  }
0x2: {  	s5 =	rddreg [dreg:$0x1]  }
0x3: {  	s4 =	rddreg [dreg:$0x2]  }
0x4: {  	s0 =	rddreg [dreg:$0x3];
	s3 =	simm.s32 $0x0  }
0x5: {  	s2 =	stileid.u32;
	s24 =	srdreg.scid;
	s17 =	simm.s32 $0x5  }
0x6: {  	[smem:$0x7FF] =	sst s3;
	s10 =	sadd.s32 $0x1400, s4;
	s9 =	sshrl.u32 s2, $0x2  }
0x7: {  	s6 =	sshll.u32 s2, $0x1;
	s11 =	sand.u32 $0x1, s24;
	s4 =	smul.u32 $0xD, s9  }
0x8: {  	s15 =	sand.u32 $0x3, s2;
	_ =	strace $0x80000047;
	s13 =	smul.u32 $0x1A00, s9  }
0x9: {  	s25 =	sand.u32 $0x6, s6;
	s26 =	ssub.s32 $0x2, s11;
	s29 =	smul.u32 $0x34000, s9  }
0xa: {  	s30 =	sshll.u32 s15, $0xC;
	s16 =	sshll.u32 s11, $0xB;
	s12 =	sor.u32 s11, s25  }
0xb: {  	s15 =	simm.s32 $0x8000;
	s7 =	sshrl.u32 s26, $0x1;
	s8 =	sshll.u32 s12, $0x7  }
0xc: {  	s14 =	ssub.s32 s26, s7;
	s28 =	smin.u32 s4, $0x25;
	s18 =	sadd.s32 $0x1, s4  }
0xd: {  	s12 =	sshll.u32 s12, $0xB;
	s19 =	sadd.s32 $0xC, s4;
	s5 =	sadd.s32 s5, s8  }
0xe: {  	s6 =	sadd.s32 $0xD, s28;
	s8 =	sshrl.u32 s13, $0x2;
	s9 =	sshll.u32 s18, $0x7  }
0xf: {  	s12 =	sadd.s32 s10, s12;
	s10 =	sadd.s32 s29, s10;
	s31 =	sshll.u32 s19, $0xE  }
0x10: {  	s11 =	smax.u32 s14, $0x1;
	s14 =	simm.s32 $0x400;
	s7 =	sadd.s32 $0x6000, s5  }
0x11: {  	s13 =	sadd.s32 s30, s10;
	s10 =	sadd.s32 s31, s12;
	p0 =	sge.u32 s4, s6  }
0x12: {  	p1 =	sge.u32 s18, s6;
	p2 =	sge.u32 s19, s6;
	s18 =	simm.s32 $0x0  }
0x13: {  	s12 =	sadd.s32 s16, s13;
	s13 =	sadd.s32 $0x180, s8;
	s16 =	simm.s32 $0x1800  }
.LBB2_1:
0x14: {  	[tilespmem:s3], [sflag:$0x5] =	stream.strided.gather [hbm4b:s5+s14], $0x1800, s15, s14, $0x38;
	[tilespmem:$0x9C00] =	vst v63  }
0x15: {  	_ = 	snop  }
0x16: {  	[tilespmem:s16], [sflag:$0x5] =	stream.linear.gather [hbm4b:s7+s3], $0x100, $0x38;
	[tilespmem:$0x9C00] =	vst v63  }
0x17: {  	_ =	swait.ge [sflag:s17], $0x1900  }
0x18: {  	s19 =	simm.s32 @!p0 $0x80;
	s29 =	sadd.s32 $0x0, s4;
	[sflag:s17] =	ssyncset.done $0x0  }
0x19: {  	s20 =	simm.s32 @!p0 $0x1C00;
	p4 =	sge.u32 s29, s6;
	[sflag:s17] =	ssyncadd.s32 $0xFFFFE700  }
0x1a: {  	[tilespmem:s20], [sflag:$0x1] =	stream.indirect.gather @!p0 [hbm4b:s1+s19], $0x80, s8, s19, $0xb8;
	[tilespmem:$0x9C00] =	vst v63  }
0x1b: {  	s21 =	sadd.s32 $0x1, s29;
	s19 =	simm.s32 @!p1 $0x80;
	s20 =	simm.s32 @!p1 $0x5C00  }
0x1c: {  	[tilespmem:s20], [sflag:$0x2] =	stream.indirect.gather @!p1 [hbm4b:s1+s19], $0x80, s9, s19, $0xb8;
	[tilespmem:$0x9C00] =	vst v63  }
0x1d: {  	s30 =	sadd.s32 $0x3, s29;
	s31 =	sadd.s32 $0x2, s29;
	s19 =	simm.s32 @!p4 $0x1  }
0x1e: {  	s22 =	simm.s32 @!p4 $0x1C00;
	p3 =	sge.u32 s21, s6;
	_ =	swait.ge @!p4 [sflag:s19], $0x4000  }
0x1f: {  	s25 =	simm.s32 @!p4 $0x3;
	p5 =	sge.u32 s31, s6;
	[sflag:s19] =	ssyncset.done @!p4 $0x0  }
0x20: {  	s21 =	simm.s32 @!p3 $0x2;
	[sflag:s19] =	ssyncadd.s32 @!p4 $0xFFFFC000;
	s19 =	simm.s32 @!p4 $0x0  }
0x21: {  	[hbm4b:s12+s19] =	stream.linear.scatter @!p4 [tilespmem:s22], [sflag:$0x3], $0x4000, $0x38;
	[tilespmem:$0x9C00] =	vst v63  }
0x22: {  	p6 =	sge.u32 s30, s6;
	s23 =	simm.s32 @!p3 $0x0;
	_ =	swait.ge @!p3 [sflag:s21], $0x4000  }
0x23: {  	s24 =	simm.s32 @!p3 $0x5C00;
	s26 =	sadd.s32 @!p5 $0xFFFFFF80, s13;
	[sflag:s21] =	ssyncset.done @!p3 $0x0  }
0x24: {  	s28 =	simm.s32 @!p5 $0x80;
	[sflag:s21] =	ssyncadd.s32 @!p3 $0xFFFFC000;
	s21 =	sadd.s32 @!p3 $0x4000, s12  }
0x25: {  	[hbm4b:s21+s23] =	stream.linear.scatter @!p3 [tilespmem:s24], [sflag:$0x4], $0x4000, $0x38;
	[tilespmem:$0x9C00] =	vst v63  }
0x26: {  	s19 =	sadd.s32 $0x2, s4;
	s22 =	sadd.s32 $0x8000, s12;
	_ =	swait.ge @!p4 [sflag:s25], $0x4000  }
0x27: {  	s20 =	sadd.s32 $0x3, s19;
	s23 =	simm.s32 $0x4;
	[sflag:s25] =	ssyncset.done @!p4 $0x0  }
0x28: {  	s24 =	simm.s32 @!p5 $0x1C00;
	[sflag:s25] =	ssyncadd.s32 @!p4 $0xFFFFC000;
	s25 =	simm.s32 @!p3 $0x4  }
0x29: {  	[tilespmem:s24], [sflag:$0x1] =	stream.indirect.gather @!p5 [hbm4b:s1+s28], $0x80, s26, s28, $0xb8;
	[tilespmem:$0x9C00] =	vst v63  }
0x2a: {  	s21 =	sadd.s32 $0x100, s13;
	p4 =	sge.u32 s19, s6;
	_ =	swait.ge @!p3 [sflag:s25], $0x4000  }
0x2b: {  	s26 =	simm.s32 @!p6 $0x80;
	s24 =	smov.u32 s13;
	[sflag:s25] =	ssyncset.done @!p3 $0x0  }
.LBB2_2:
0x2c: {  	s28 =	sadd.s32 s23, s4;
	s23 =	sadd.s32 $0x2, s23;
	[sflag:s25] =	ssyncadd.s32 @!p3 $0xFFFFC000  }
0x2d: {  	s25 =	simm.s32 @!p4 $0x1;
	s29 =	simm.s32 @!p6 $0x5C00;
	p5 =	sne.s32 s23, $0xC  }
0x2e: {  	[tilespmem:s29], [sflag:$0x2] =	stream.indirect.gather @!p6 [hbm4b:s1+s26], $0x80, s24, s26, $0xb8;
	[tilespmem:$0x9C00] =	vst v63  }
0x2f: {  	s24 =	sadd.s32 $0x3, s28;
	s26 =	sadd.s32 $0x1, s19;
	_ =	swait.ge @!p4 [sflag:s25], $0x4000  }
0x30: {  	s29 =	simm.s32 @!p4 $0x1C00;
	p3 =	sge.u32 s26, s6;
	[sflag:s25] =	ssyncset.done @!p4 $0x0  }
0x31: {  	s26 =	simm.s32 @!p3 $0x2;
	[sflag:s25] =	ssyncadd.s32 @!p4 $0xFFFFC000;
	s25 =	simm.s32 @!p4 $0x0  }
0x32: {  	[hbm4b:s22+s25] =	stream.linear.scatter @!p4 [tilespmem:s29], [sflag:$0x3], $0x4000, $0x38;
	[tilespmem:$0x9C00] =	vst v63  }
0x33: {  	s29 =	smov.u32 s20;
	s20 =	smov.u32 s24;
	_ =	swait.ge @!p3 [sflag:s26], $0x4000  }
0x34: {  	s24 =	simm.s32 @!p3 $0x0;
	s25 =	simm.s32 @!p3 $0x5C00;
	[sflag:s26] =	ssyncset.done @!p3 $0x0  }
0x35: {  	s30 =	simm.s32 @!p4 $0x3;
	[sflag:s26] =	ssyncadd.s32 @!p3 $0xFFFFC000;
	s26 =	sadd.s32 @!p3 $0x4000, s22  }
0x36: {  	[hbm4b:s26+s24] =	stream.linear.scatter @!p3 [tilespmem:s25], [sflag:$0x4], $0x4000, $0x38;
	[tilespmem:$0x9C00] =	vst v63  }
0x37: {  	s24 =	sadd.s32 $0x2, s19  }
0x38: {  	s19 =	smov.u32 s28;
	s25 =	simm.s32 @!p3 $0x4;
	_ =	swait.ge @!p4 [sflag:s30], $0x4000  }
0x39: {  	p6 =	sge.u32 s24, s6;
	s24 =	smov.u32 s21;
	[sflag:s30] =	ssyncset.done @!p4 $0x0  }
.Ltmp0:
0x3a: {  	s26 =	simm.s32 @!p6 $0x1C00;
	[sflag:s30] =	ssyncadd.s32 @!p4 $0xFFFFC000;
	(pc) =	sbr.rel @p5 .LBB2_2-.Ltmp0, $4  }
0x3b: {  	s21 =	sadd.s32 $0x100, s21;
	s28 =	sadd.s32 @!p6 $0xFFFFFF80, s24;
	s30 =	simm.s32 @!p6 $0x80  }
0x3c: {  	[tilespmem:s26], [sflag:$0x1] =	stream.indirect.gather @!p6 [hbm4b:s1+s30], $0x80, s28, s30, $0xb8;
	[tilespmem:$0x9C00] =	vst v63  }
0x3d: {  	s22 =	sadd.s32 $0x8000, s22;
	p6 =	sge.u32 s29, s6;
	_ =	swait.ge @!p3 [sflag:s25], $0x4000  }
0x3e: {  	p4 =	sge.u32 s19, s6;
	s26 =	simm.s32 @!p6 $0x80;
	[sflag:s25] =	ssyncset.done @!p3 $0x0  }
0x3f: {  	[sflag:s25] =	ssyncadd.s32 @!p3 $0xFFFFC000;
	s23 =	simm.s32 @!p4 $0x1;
	s25 =	simm.s32 @!p6 $0x5C00  }
0x40: {  	[tilespmem:s25], [sflag:$0x2] =	stream.indirect.gather @!p6 [hbm4b:s1+s26], $0x80, s24, s26, $0xb8;
	[tilespmem:$0x9C00] =	vst v63  }
0x41: {  	s30 =	sadd.s32 $0x1, s19;
	_ =	swait.ge @!p4 [sflag:s23], $0x4000  }
0x42: {  	s25 =	simm.s32 @!p4 $0x1C00;
	p3 =	sge.u32 s30, s6;
	[sflag:s23] =	ssyncset.done @!p4 $0x0  }
0x43: {  	s24 =	simm.s32 @!p3 $0x2;
	[sflag:s23] =	ssyncadd.s32 @!p4 $0xFFFFC000;
	s23 =	simm.s32 @!p4 $0x0  }
0x44: {  	[hbm4b:s22+s23] =	stream.linear.scatter @!p4 [tilespmem:s25], [sflag:$0x3], $0x4000, $0x38;
	[tilespmem:$0x9C00] =	vst v63  }
0x45: {  	s31 =	sadd.s32 $0x2, s19;
	_ =	swait.ge @!p3 [sflag:s24], $0x4000  }
0x46: {  	s23 =	simm.s32 @!p3 $0x0;
	s25 =	simm.s32 @!p3 $0x5C00;
	[sflag:s24] =	ssyncset.done @!p3 $0x0  }
0x47: {  	s22 =	sadd.s32 @!p3 $0x4000, s22;
	[sflag:s24] =	ssyncadd.s32 @!p3 $0xFFFFC000;
	s24 =	simm.s32 @!p4 $0x3  }
0x48: {  	[hbm4b:s22+s23] =	stream.linear.scatter @!p3 [tilespmem:s25], [sflag:$0x4], $0x4000, $0x38;
	[tilespmem:$0x9C00] =	vst v63  }
0x49: {  	p5 =	sge.u32 s31, s6;
	_ =	swait.ge @!p4 [sflag:s24], $0x4000  }
0x4a: {  	s19 =	simm.s32 @!p5 $0x1C00;
	s22 =	simm.s32 @!p3 $0x4;
	[sflag:s24] =	ssyncset.done @!p4 $0x0  }
0x4b: {  	s23 =	sadd.s32 @!p5 $0xFFFFFF80, s21;
	[sflag:s24] =	ssyncadd.s32 @!p4 $0xFFFFC000;
	s24 =	simm.s32 @!p5 $0x80  }
0x4c: {  	[tilespmem:s19], [sflag:$0x1] =	stream.indirect.gather @!p5 [hbm4b:s1+s24], $0x80, s23, s24, $0xb8;
	[tilespmem:$0x9C00] =	vst v63  }
0x4d: {  	_ =	swait.ge @!p3 [sflag:s22], $0x4000  }
0x4e: {  	p4 =	sge.u32 s20, s6;
	[sflag:s22] =	ssyncset.done @!p3 $0x0  }
0x4f: {  	s19 =	simm.s32 @!p4 $0x80;
	s20 =	simm.s32 @!p4 $0x5C00;
	[sflag:s22] =	ssyncadd.s32 @!p3 $0xFFFFC000  }
0x50: {  	[tilespmem:s20], [sflag:$0x2] =	stream.indirect.gather @!p4 [hbm4b:s1+s19], $0x80, s21, s19, $0xb8;
	[tilespmem:$0x9C00] =	vst v63  }
0x51: {  	s19 =	simm.s32 @!p2 $0x1  }
0x52: {  	s18 =	sadd.s32 $0x1, s18;
	_ =	swait.ge @!p2 [sflag:s19], $0x4000  }
0x53: {  	p3 =	sne.s32 s18, s11;
	[sflag:s19] =	ssyncset.done @!p2 $0x0  }
0x54: {  	s20 =	simm.s32 @!p2 $0x1C00;
	[sflag:s19] =	ssyncadd.s32 @!p2 $0xFFFFC000;
	s19 =	simm.s32 @!p2 $0x0  }
0x55: {  	[hbm4b:s10+s19] =	stream.linear.scatter @!p2 [tilespmem:s20], [sflag:$0x3], $0x4000, $0x38;
	[tilespmem:$0x9C00] =	vst v63  }
.Ltmp1:
0x56: {  	_ = 	snop;
	(pc) =	sbr.rel @p3 .LBB2_1-.Ltmp1, $4  }
0x57: {  	s19 =	simm.s32 @!p2 $0x3  }
0x58: {  	_ =	swait.ge @!p2 [sflag:s19], $0x4000  }
0x59: {  	[sflag:s19] =	ssyncset.done @!p2 $0x0  }
0x5a: {  	[sflag:s19] =	ssyncadd.s32 @!p2 $0xFFFFC000  }
0x5b: {  	_ =	sfence.sel $0x180000  }
0x5c: {  	[bflag:$0x0] =	sbarrier.arrive $0xFFFF  }
0x5d: {  	p0 =	sne.s32 s2, $0x0;
	_ =	strace $0x90000047  }
0x5e: {  	s0 =	sadd.s32 @!p0 $0x100000, s0;
	[bflag:$0x2] =	sbarrier.arrive $0xFFFF  }
0x5f: {  	[sflag:s0] =	ssyncadd.tile.s32 @!p0 $0x1;
	_ =	shalt  }
.Lfunc_end2:
_tile_overlayer_lowered:
.L_overlay_start_2:
0x60: {  	(tag) =	ssettag $0x2  }
0x61: {  	s0 =	rddreg [dreg:$0x0];
	s2 =	stileid.u32  }
0x62: {  	s1 =	rddreg [dreg:$0x1];
	p0 =	sne.s32 s2, $0x0  }
0x63: {  	s3 =	rddreg [dreg:$0x2];
	[bflag:$0x3] =	sbarrier.arrive $0xFFFF;
	s2 =	simm.s32 @!p0 $0x1C05  }
0x64: {  	[timem:s3], [sflag:s2] =	dma.local @!p0 [hbm:s0], s1  }
0x65: {  	s0 =	simm.s32 @!p0 $0x5  }
0x66: {  	_ =	swait.ge @!p0 [sflag:s0], s1  }
0x67: {  	s1 =	ssub.s32 @!p0 $0x0, s1;
	[sflag:s0] =	ssyncset.done @!p0 $0x0  }
0x68: {  	[sflag:s0] =	ssyncadd.s32 @!p0 s1  }
0x69: {  	[bflag:$0x3] =	sbarrier.arrive $0xFFFF  }
0x6a: {  	_ =	shalt  }

// kernel: kernel.13.cloned.1.call-start
scs
__scs_entry_jumppad:
0x0: {  	(pc) =	sbr.rel $0x88, $3  }
0x1: {  	(tag) =	ssettag $0x0;
	lr =	simm.s32 $0x1  }
0x2: {  	[smem:$0x3F9D] =	sst lr;
	_ =	strace $0xD0000000  }
0x3: {  	_ = 	snop  }
0x4: {  	_ = 	snop  }
0x5: {  	_ = 	snop  }
0x6: {  	_ = 	snop  }
0x7: {  	_ = 	snop  }
__scs_overlays_trampoline_lowered:
0x8: {  	[smem:$0x3FAC] =	sst s0  }
0x9: {  	[smem:$0x3FAD] =	sst s1  }
0xa: {  	[smem:$0x3FAE] =	sst s2  }
0xb: {  	[smem:$0x3FAF] =	sst s3  }
0xc: {  	[smem:$0x3FB0] =	sst s4  }
0xd: {  	[smem:$0x3FB1] =	sst s5  }
0xe: {  	[smem:$0x3FB2] =	sst s6  }
0xf: {  	[smem:$0x3FB3] =	sst s7  }
0x10: {  	[smem:$0x3FB4] =	sst s8  }
0x11: {  	[smem:$0x3FB5] =	sst s9;
	s0 =	simm.s32 @!p0 $0x0  }
0x12: {  	s1 =	sld [smem:$0x3F9B];
	s0 =	simm.s32 @p0 $0x1  }
0x13: {  	[smem:$0x3FB6] =	sst s0;
	s0 =	simm.s32 @!p1 $0x0  }
0x14: {  	s2 =	sld [smem:$0x3F9A];
	s0 =	simm.s32 @p1 $0x1  }
0x15: {  	[smem:$0x3FB7] =	sst s0;
	s0 =	simm.s32 @!p2 $0x0  }
0x16: {  	s3 =	sld [smem:$0x3FDB];
	s0 =	simm.s32 @p2 $0x1  }
0x17: {  	s4 =	simm.s32 $0x1BF5;
	[smem:$0x3FB9] =	sst s0  }
0x18: {  	s0 =	sld [smem:$0x3F9C];
	_ =	swait.ge [sflag:s4], $0x0  }
0x19: {  	s7 =	sld [smem:$0x3F9D]  }
0x1a: {  	s8 =	sadd.s32 $0xFFFFE003, lr  }
0x1b: {  	s9 =	sadd.s32 $0xFFFFFEF7, lr;
	s5 =	simm.s32 $0xFFFFFFFF;
	p2 =	slt.u32 s8, $0xFFFFF086  }
0x1c: {  	p1 =	slt.u32 s9, $0xF7A;
	s5 =	simm.s32 @!p2 $0x0  }
0x1d: {  	s5 =	simm.s32 @p1 $0x1;
	p0 =	seq.s32 s7, s2  }
0x1e: {  	s7 =	smul.u32 @!p0 $0xF7A, s2;
	p2 =	seq.s32 @!p0 s5, $0x0  }
0x1f: {  	s9 =	smul.u32 $0xF7A, s1;
	s8 =	simm.s32 @!p0 $0x1BF5;
	p2 =	por !p2, p0  }
0x20: {  	[sflag:s8] =	ssyncset.s32 @!p0 $0xFFFFF086;
	s6 =	sadd.s32 @!p0 s3, s7;
	s7 =	simm.s32 @!p0 $0x108  }
0x21: {  	s3 =	sadd.s32 s3, s9;
	s6 =	sadd.s32 @!p0 $0x88, s6;
	s7 =	simm.s32 @p2 $0x1082  }
0x22: {  	[simem:s7], [sflag:s8] =	dma.local @!p0 [hbm:s6], $0xF7A  }
0x23: {  	s9 =	sor.u32 $0xD0000000, s2;
	s6 =	simm.s32 $0x108;
	_ =	swait.ge @!p0 [sflag:s8], $0x0  }
0x24: {  	s3 =	sadd.s32 $0x88, s3;
	s6 =	simm.s32 @!p1 $0x1082;
	[sflag:s4] =	ssyncset.s32 $0xFFFFF086  }
0x25: {  	[simem:s6], [sflag:s4] =	dma.local [hbm:s3], $0xF7A  }
0x26: {  	[smem:$0x3F9D] =	sst s1;
	(tag) =	ssettag s2;
	_ =	strace s9  }
0x27: {  	s1 =	sld [smem:$0x3FAD]  }
0x28: {  	s2 =	sld [smem:$0x3FAE]  }
0x29: {  	s4 =	sld [smem:$0x3FB0]  }
0x2a: {  	p0 =	seq.s32 s5, $0x0;
	s5 =	sld [smem:$0x3FB1]  }
0x2b: {  	s6 =	sld [smem:$0x3FB2]  }
0x2c: {  	s7 =	sld [smem:$0x3FB3]  }
0x2d: {  	s3 =	simm.s32 $0x108;
	s8 =	sld [smem:$0x3FB4]  }
0x2e: {  	s3 =	simm.s32 @!p0 $0x1082;
	s9 =	sld [smem:$0x3FB5]  }
0x2f: {  	lr =	sadd.s32 s0, s3;
	s0 =	sld [smem:$0x3FAC]  }
0x30: {  	s3 =	sld [smem:$0x3FAF]  }
0x31: {  	[smem:$0x3FB8] =	sst s10  }
0x32: {  	s10 =	sld [smem:$0x3FB6];
	_ =	sdelay $0x3  }
0x33: {  	p0 =	seq.s32 s10, $0x1;
	s10 =	sld [smem:$0x3FB8];
	_ =	sdelay $0x3  }
0x34: {  	[smem:$0x3FB8] =	sst s10  }
0x35: {  	s10 =	sld [smem:$0x3FB7];
	_ =	sdelay $0x3  }
0x36: {  	p1 =	seq.s32 s10, $0x1;
	s10 =	sld [smem:$0x3FB8];
	_ =	sdelay $0x3  }
0x37: {  	[smem:$0x3FB8] =	sst s10  }
0x38: {  	s10 =	sld [smem:$0x3FB9]  }
0x39: {  	_ = 	snop;
	(pc) =	sbr.ind lr, $3  }
0x3a: {  	_ = 	snop  }
0x3b: {  	_ = 	snop  }
0x3c: {  	p2 =	seq.s32 s10, $0x1;
	s10 =	sld [smem:$0x3FB8]  }
0x3d: {  	_ =	shalt  }
0x3e: {  	_ =	shalt  }
0x3f: {  	_ =	shalt  }
0x40: {  	_ =	shalt  }
0x41: {  	_ =	shalt  }
0x42: {  	_ =	shalt  }
0x43: {  	_ =	shalt  }
0x44: {  	_ =	shalt  }
0x45: {  	_ =	shalt  }
0x46: {  	_ =	shalt  }
0x47: {  	_ =	shalt  }
0x48: {  	_ =	shalt  }
0x49: {  	_ =	shalt  }
0x4a: {  	_ =	shalt  }
0x4b: {  	_ =	shalt  }
0x4c: {  	_ =	shalt  }
0x4d: {  	_ =	shalt  }
0x4e: {  	_ =	shalt  }
0x4f: {  	_ =	shalt  }
0x50: {  	_ =	shalt  }
0x51: {  	_ =	shalt  }
0x52: {  	_ =	shalt  }
0x53: {  	_ =	shalt  }
0x54: {  	_ =	shalt  }
0x55: {  	_ =	shalt  }
0x56: {  	_ =	shalt  }
0x57: {  	_ =	shalt  }
0x58: {  	_ =	shalt  }
0x59: {  	_ =	shalt  }
0x5a: {  	_ =	shalt  }
0x5b: {  	_ =	shalt  }
0x5c: {  	_ =	shalt  }
0x5d: {  	_ =	shalt  }
0x5e: {  	_ =	shalt  }
0x5f: {  	_ =	shalt  }
0x60: {  	_ =	shalt  }
0x61: {  	_ =	shalt  }
0x62: {  	_ =	shalt  }
0x63: {  	_ =	shalt  }
0x64: {  	_ =	shalt  }
0x65: {  	_ =	shalt  }
0x66: {  	_ =	shalt  }
0x67: {  	_ =	shalt  }
0x68: {  	_ =	shalt  }
0x69: {  	_ =	shalt  }
0x6a: {  	_ =	shalt  }
0x6b: {  	_ =	shalt  }
0x6c: {  	_ =	shalt  }
0x6d: {  	_ =	shalt  }
0x6e: {  	_ =	shalt  }
0x6f: {  	_ =	shalt  }
0x70: {  	_ =	shalt  }
0x71: {  	_ =	shalt  }
0x72: {  	_ =	shalt  }
0x73: {  	_ =	shalt  }
0x74: {  	_ =	shalt  }
0x75: {  	_ =	shalt  }
0x76: {  	_ =	shalt  }
0x77: {  	_ =	shalt  }
0x78: {  	_ =	shalt  }
0x79: {  	_ =	shalt  }
0x7a: {  	_ =	shalt  }
0x7b: {  	_ =	shalt  }
0x7c: {  	_ =	shalt  }
0x7d: {  	_ =	shalt  }
0x7e: {  	_ =	shalt  }
0x7f: {  	_ =	shalt  }
0x80: {  	_ =	shalt  }
0x81: {  	_ =	shalt  }
0x82: {  	_ =	shalt  }
0x83: {  	_ =	shalt  }
0x84: {  	_ =	shalt  }
0x85: {  	_ =	shalt  }
0x86: {  	_ =	shalt  }
0x87: {  	_ =	shalt  }
.Lfunc_end0:
.L_simem_size_0:
called_computation.1_lowered:
.L_overlay_start_0:
0x88: {  	s2 =	sld [smem:$0x3FD9]  }
0x89: {  	s3 =	sld [smem:$0x3FFE];
	_ =	sdelay $0x1  }
0x8a: {  	s1 =	srdreg.scid  }
0x8b: {  	s0 =	sand.u32 $0x1, s1  }
0x8c: {  	s17 =	sshll.u32 s0, $0xA;
	s2 =	sadd.s32 s3, s2  }
0x8d: {  	s2 =	sadd.s32 s2, s17  }
0x8e: {  	[smem:$0x3FC4] =	sst s2  }
0x8f: {  	_ = 	snop  }
0x90: {  	s18 =	sld [smem:$0x3FC9]  }
0x91: {  	s4 =	sld [smem:$0x3FC8];
	(tm) =	ssettm $0x1  }
0x92: {  	s19 =	sld [smem:$0x3FFB];
	_ =	sdelay $0x3  }
0x93: {  	_ =	strace s19  }
0x94: {  	s2 =	sld [smem:$0x3FFC];
	_ =	sdelay $0x3  }
0x95: {  	_ =	strace s2  }
0x96: {  	s2 =	sld [smem:$0x3FFD];
	_ =	sdelay $0x3  }
0x97: {  	_ =	strace s2  }
0x98: {  	_ =	strace $0x8FFFFFFF  }
0x99: {  	s20 =	sld [smem:$0x3FDB];
	_ =	sdelay $0x1  }
0x9a: {  	s5 =	simm.s32 $_scs_section_size  }
0x9b: {  	s6 =	simm.s32 $_size__tile_overlayer_lowered;
	s7 =	simm.s32 $_tile_overlayer_lowered  }
0x9c: {  	s8 =	simm.s32 $0x1BFF;
	s21 =	sshll.u32 s7, $0x1;
	s5 =	sadd.s32 s5, s20  }
0x9d: {  	s22 =	simm.s32 $0x0;
	s6 =	sshll.u32 s6, $0x1;
	s7 =	sadd.s32 s21, s5  }
0x9e: {  	[timem:s22], [sflag:s8] =	dma.local [hbm:s7], s6  }
0x9f: {  	_ =	swait.ge [sflag:s8], s6  }
0xa0: {  	s6 =	ssub.s32 $0x0, s6;
	[sflag:s8] =	ssyncset.done $0x0  }
0xa1: {  	[sflag:s8] =	ssyncadd.s32 s6;
	_ =	sdelay $0x1  }
0xa2: {  	s23 =	simm.s32 $0x1B8B  }
0xa3: {  	_ =	swait.ge [sflag:s23], $0x1  }
0xa4: {  	[sflag:s23] =	ssyncset.done $0x0  }
0xa5: {  	[sflag:s23] =	ssyncadd.s32 $0xFFFFFFFF  }
0xa6: {  	s6 =	sld [smem:$0x0]  }
0xa7: {  	s7 =	sand.u32 $0xFFFFFFFE, s1  }
0xa8: {  	p0 =	sne.s32 s1, s7  }
0xa9: {  	s7 =	sshll.u32 @p0 s7, $0xE  }
0xaa: {  	s7 =	sadd.s32 @p0 $0x11B8D, s7;
	s8 =	sshll.u32 @p0 s6, $0x11  }
0xab: {  	s7 =	sor.u32 @p0 s8, s7  }
0xac: {  	[sflag:s7] =	ssyncadd.remote.s32 @p0 $0x1;
	_ =	sdelay $0x1  }
0xad: {  	s7 =	simm.s32 @p0 $0x1B8D  }
0xae: {  	_ =	swait.eq @p0 [sflag:s7], $0x1  }
0xaf: {  	[sflag:s7] =	ssyncadd.s32 @p0 $0xFFFFFFFF  }
0xb0: {  	s8 =	sshll.u32 @!p0 s1, $0xE  }
0xb1: {  	s8 =	sor.u32 @!p0 $0x4000, s8;
	s7 =	simm.s32 @!p0 $0x1B8D  }
0xb2: {  	s6 =	sshll.u32 @!p0 s6, $0x11;
	s8 =	sadd.s32 @!p0 $0x11B8D, s8;
	_ =	swait.eq @!p0 [sflag:s7], $0x1  }
0xb3: {  	s6 =	sor.u32 @!p0 s6, s8;
	[sflag:s7] =	ssyncadd.s32 @!p0 $0xFFFFFFFF  }
0xb4: {  	s25 =	simm.s32 $0x1B8E;
	s24 =	sld [smem:$0x3FFE];
	[sflag:s6] =	ssyncadd.remote.s32 @!p0 $0x1  }
0xb5: {  	s26 =	simm.s32 $execute0_lowered;
	[smem:$0x3FD2] =	sst s25  }
0xb6: {  	s7 =	sshll.u32 s26, $0x1;
	_ =	strace $0x80000049;
	[dreg:$0x1] =	wrdreg $0xFFFFFFFF  }
0xb7: {  	s28 =	simm.s32 $_size_execute0_lowered;
	s5 =	sadd.s32 s5, s7;
	[dreg:$0x0] =	wrdreg $0x0  }
0xb8: {  	s7 =	sshll.u32 s28, $0x1;
	[dreg:$0x2] =	wrdreg s5  }
0xb9: {  	[dreg:$0x3] =	wrdreg s7  }
0xba: {  	[dreg:$0x4] =	wrdreg $0xC0  }
0xbb: {  	_ =	task [dreg:s22], $0x5FFFF  }
0xbc: {  	[dreg:$0x1] =	wrdreg $0xFFFFFFFF  }
0xbd: {  	[dreg:$0x0] =	wrdreg $0x60  }
0xbe: {  	[dreg:$0x2] =	wrdreg s4  }
0xbf: {  	[dreg:$0x3] =	wrdreg s18  }
0xc0: {  	[dreg:$0x4] =	wrdreg s24  }
0xc1: {  	[dreg:$0x5] =	wrdreg $0xA  }
0xc2: {  	_ =	task.clear_ibuf [dreg:s22], $0x6FFFF;
	_ =	strace $0x90000049  }
0xc3: {  	s29 =	simm.s32 $0xA;
	_ =	strace $0x8000004B  }
0xc4: {  	_ =	swait.ge [sflag:s29], $0x1  }
0xc5: {  	[sflag:s29] =	ssyncadd.s32 $0xFFFFFFFF  }
0xc6: {  	_ =	strace $0x9000004B  }
0xc7: {  	_ =	sfence  }
0xc8: {  	s30 =	sld [smem:$0x0];
	_ =	sdelay $0x2  }
0xc9: {  	s31 =	sshll.u32 s1, $0xD;
	s1 =	sshrl.u32 s1, $0x2  }
0xca: {  	s4 =	sand.u32 $0x4000, s31;
	s1 =	sadd.s32 s1, s30  }
0xcb: {  	s0 =	sor.u32 s4, s0;
	s1 =	sshll.u32 s1, $0x11  }
0xcc: {  	s0 =	sor.u32 s1, s0  }
0xcd: {  	s0 =	sadd.s32 $0x8F2B, s0  }
0xce: {  	[sflag:s0] =	ssyncadd.remote.s32 $0x1  }
0xcf: {  	_ =	sfence.sel $0xFFFF  }
0xd0: {  	[dreg:$0x0] =	wrdreg $0xFFFFFFFF;
	(pc) =	sbr.abs _section_cstart, $3  }
0xd1: {  	[dreg:$0x1] =	wrdreg $0xFFFFFFFF  }
0xd2: {  	_ =	task.clear_ibuf [dreg:s22], $0x2FFFF;
	_ =	strace $0x9FFFFFFF  }
0xd3: {  	(tm) =	ssettm $0x7FFFFFFF  }
tec
execute0_lowered:
.L_overlay_start_1:
0x0: {  	(tag) =	ssettag $0x1  }
0x1: {  	s1 =	rddreg [dreg:$0x0]  }
0x2: {  	s6 =	rddreg [dreg:$0x1]  }
0x3: {  	s5 =	rddreg [dreg:$0x2]  }
0x4: {  	s0 =	rddreg [dreg:$0x3];
	s3 =	simm.s32 $0x0;
	s4 =	srdreg.scid  }
0x5: {  	s2 =	stileid.u32;
	s17 =	simm.s32 $0x5;
	[smem:$0x7FF] =	sst s3  }
0x6: {  	s10 =	sand.u32 $0x1, s4;
	s23 =	sshll.u32 s2, $0x1;
	s9 =	sshrl.u32 s2, $0x2  }
0x7: {  	s11 =	sadd.s32 $0xC9400, s5;
	s29 =	sand.u32 $0x3, s2;
	s4 =	smul.u32 $0xD, s9  }
0x8: {  	_ =	strace $0x8000004A;
	s7 =	ssub.s32 $0x2, s10;
	s14 =	smul.u32 $0x1A00, s9  }
0x9: {  	s8 =	sand.u32 $0x6, s23;
	s28 =	smul.u32 $0x34000, s9;
	s30 =	sshll.u32 s29, $0xC  }
0xa: {  	s16 =	sshll.u32 s10, $0xB;
	s24 =	sshrl.u32 s7, $0x1;
	s12 =	sor.u32 s10, s8  }
0xb: {  	s25 =	smin.u32 s4, $0x25;
	s13 =	sshll.u32 s12, $0x7;
	s15 =	ssub.s32 s7, s24  }
0xc: {  	s8 =	sshrl.u32 s14, $0x2;
	s18 =	sadd.s32 $0x1, s4;
	s12 =	sshll.u32 s12, $0xB  }
0xd: {  	s19 =	sadd.s32 $0xC, s4;
	s14 =	simm.s32 $0x400;
	s5 =	sadd.s32 $0xD, s25  }
0xe: {  	s26 =	sadd.s32 s13, s6;
	s9 =	sshll.u32 s18, $0x7;
	s12 =	sadd.s32 s11, s12  }
0xf: {  	s11 =	sadd.s32 s28, s11;
	s31 =	sshll.u32 s19, $0xE;
	s6 =	sadd.s32 $0x400, s26  }
0x10: {  	s7 =	sadd.s32 $0x6400, s26;
	s13 =	sadd.s32 s30, s11;
	s10 =	sadd.s32 s31, s12  }
0x11: {  	s11 =	smax.u32 s15, $0x1;
	p0 =	sge.u32 s4, s5;
	s15 =	simm.s32 $0x8000  }
0x12: {  	p1 =	sge.u32 s18, s5;
	p2 =	sge.u32 s19, s5;
	s18 =	simm.s32 $0x0  }
0x13: {  	s12 =	sadd.s32 s16, s13;
	s13 =	sadd.s32 $0x180, s8;
	s16 =	simm.s32 $0x1800  }
.LBB2_1:
0x14: {  	[tilespmem:s3], [sflag:$0x5] =	stream.strided.gather [hbm4b:s6+s14], $0x1800, s15, s14, $0x38;
	[tilespmem:$0x9C00] =	vst v63  }
0x15: {  	_ = 	snop  }
0x16: {  	[tilespmem:s16], [sflag:$0x5] =	stream.linear.gather [hbm4b:s7+s3], $0x100, $0x38;
	[tilespmem:$0x9C00] =	vst v63  }
0x17: {  	_ =	swait.ge [sflag:s17], $0x1900  }
0x18: {  	s19 =	simm.s32 @!p0 $0x80;
	s29 =	sadd.s32 $0x0, s4;
	[sflag:s17] =	ssyncset.done $0x0  }
0x19: {  	s20 =	simm.s32 @!p0 $0x1C00;
	p4 =	sge.u32 s29, s5;
	[sflag:s17] =	ssyncadd.s32 $0xFFFFE700  }
0x1a: {  	[tilespmem:s20], [sflag:$0x1] =	stream.indirect.gather @!p0 [hbm4b:s1+s19], $0x80, s8, s19, $0xb8;
	[tilespmem:$0x9C00] =	vst v63  }
0x1b: {  	s21 =	sadd.s32 $0x1, s29;
	s19 =	simm.s32 @!p1 $0x80;
	s20 =	simm.s32 @!p1 $0x5C00  }
0x1c: {  	[tilespmem:s20], [sflag:$0x2] =	stream.indirect.gather @!p1 [hbm4b:s1+s19], $0x80, s9, s19, $0xb8;
	[tilespmem:$0x9C00] =	vst v63  }
0x1d: {  	s30 =	sadd.s32 $0x3, s29;
	s31 =	sadd.s32 $0x2, s29;
	s19 =	simm.s32 @!p4 $0x1  }
0x1e: {  	s22 =	simm.s32 @!p4 $0x1C00;
	p3 =	sge.u32 s21, s5;
	_ =	swait.ge @!p4 [sflag:s19], $0x4000  }
0x1f: {  	s25 =	simm.s32 @!p4 $0x3;
	p5 =	sge.u32 s31, s5;
	[sflag:s19] =	ssyncset.done @!p4 $0x0  }
0x20: {  	s21 =	simm.s32 @!p3 $0x2;
	[sflag:s19] =	ssyncadd.s32 @!p4 $0xFFFFC000;
	s19 =	simm.s32 @!p4 $0x0  }
0x21: {  	[hbm4b:s12+s19] =	stream.linear.scatter @!p4 [tilespmem:s22], [sflag:$0x3], $0x4000, $0x38;
	[tilespmem:$0x9C00] =	vst v63  }
0x22: {  	p6 =	sge.u32 s30, s5;
	s23 =	simm.s32 @!p3 $0x0;
	_ =	swait.ge @!p3 [sflag:s21], $0x4000  }
0x23: {  	s24 =	simm.s32 @!p3 $0x5C00;
	s26 =	sadd.s32 @!p5 $0xFFFFFF80, s13;
	[sflag:s21] =	ssyncset.done @!p3 $0x0  }
0x24: {  	s28 =	simm.s32 @!p5 $0x80;
	[sflag:s21] =	ssyncadd.s32 @!p3 $0xFFFFC000;
	s21 =	sadd.s32 @!p3 $0x4000, s12  }
0x25: {  	[hbm4b:s21+s23] =	stream.linear.scatter @!p3 [tilespmem:s24], [sflag:$0x4], $0x4000, $0x38;
	[tilespmem:$0x9C00] =	vst v63  }
0x26: {  	s19 =	sadd.s32 $0x2, s4;
	s22 =	sadd.s32 $0x8000, s12;
	_ =	swait.ge @!p4 [sflag:s25], $0x4000  }
0x27: {  	s20 =	sadd.s32 $0x3, s19;
	s23 =	simm.s32 $0x4;
	[sflag:s25] =	ssyncset.done @!p4 $0x0  }
0x28: {  	s24 =	simm.s32 @!p5 $0x1C00;
	[sflag:s25] =	ssyncadd.s32 @!p4 $0xFFFFC000;
	s25 =	simm.s32 @!p3 $0x4  }
0x29: {  	[tilespmem:s24], [sflag:$0x1] =	stream.indirect.gather @!p5 [hbm4b:s1+s28], $0x80, s26, s28, $0xb8;
	[tilespmem:$0x9C00] =	vst v63  }
0x2a: {  	s21 =	sadd.s32 $0x100, s13;
	p4 =	sge.u32 s19, s5;
	_ =	swait.ge @!p3 [sflag:s25], $0x4000  }
0x2b: {  	s26 =	simm.s32 @!p6 $0x80;
	s24 =	smov.u32 s13;
	[sflag:s25] =	ssyncset.done @!p3 $0x0  }
.LBB2_2:
0x2c: {  	s28 =	sadd.s32 s23, s4;
	s23 =	sadd.s32 $0x2, s23;
	[sflag:s25] =	ssyncadd.s32 @!p3 $0xFFFFC000  }
0x2d: {  	s25 =	simm.s32 @!p4 $0x1;
	s29 =	simm.s32 @!p6 $0x5C00;
	p5 =	sne.s32 s23, $0xC  }
0x2e: {  	[tilespmem:s29], [sflag:$0x2] =	stream.indirect.gather @!p6 [hbm4b:s1+s26], $0x80, s24, s26, $0xb8;
	[tilespmem:$0x9C00] =	vst v63  }
0x2f: {  	s24 =	sadd.s32 $0x3, s28;
	s26 =	sadd.s32 $0x1, s19;
	_ =	swait.ge @!p4 [sflag:s25], $0x4000  }
0x30: {  	s29 =	simm.s32 @!p4 $0x1C00;
	p3 =	sge.u32 s26, s5;
	[sflag:s25] =	ssyncset.done @!p4 $0x0  }
0x31: {  	s26 =	simm.s32 @!p3 $0x2;
	[sflag:s25] =	ssyncadd.s32 @!p4 $0xFFFFC000;
	s25 =	simm.s32 @!p4 $0x0  }
0x32: {  	[hbm4b:s22+s25] =	stream.linear.scatter @!p4 [tilespmem:s29], [sflag:$0x3], $0x4000, $0x38;
	[tilespmem:$0x9C00] =	vst v63  }
0x33: {  	s29 =	smov.u32 s20;
	s20 =	smov.u32 s24;
	_ =	swait.ge @!p3 [sflag:s26], $0x4000  }
0x34: {  	s24 =	simm.s32 @!p3 $0x0;
	s25 =	simm.s32 @!p3 $0x5C00;
	[sflag:s26] =	ssyncset.done @!p3 $0x0  }
0x35: {  	s30 =	simm.s32 @!p4 $0x3;
	[sflag:s26] =	ssyncadd.s32 @!p3 $0xFFFFC000;
	s26 =	sadd.s32 @!p3 $0x4000, s22  }
0x36: {  	[hbm4b:s26+s24] =	stream.linear.scatter @!p3 [tilespmem:s25], [sflag:$0x4], $0x4000, $0x38;
	[tilespmem:$0x9C00] =	vst v63  }
0x37: {  	s24 =	sadd.s32 $0x2, s19  }
0x38: {  	s19 =	smov.u32 s28;
	s25 =	simm.s32 @!p3 $0x4;
	_ =	swait.ge @!p4 [sflag:s30], $0x4000  }
0x39: {  	p6 =	sge.u32 s24, s5;
	s24 =	smov.u32 s21;
	[sflag:s30] =	ssyncset.done @!p4 $0x0  }
.Ltmp0:
0x3a: {  	s26 =	simm.s32 @!p6 $0x1C00;
	[sflag:s30] =	ssyncadd.s32 @!p4 $0xFFFFC000;
	(pc) =	sbr.rel @p5 .LBB2_2-.Ltmp0, $4  }
0x3b: {  	s21 =	sadd.s32 $0x100, s21;
	s28 =	sadd.s32 @!p6 $0xFFFFFF80, s24;
	s30 =	simm.s32 @!p6 $0x80  }
0x3c: {  	[tilespmem:s26], [sflag:$0x1] =	stream.indirect.gather @!p6 [hbm4b:s1+s30], $0x80, s28, s30, $0xb8;
	[tilespmem:$0x9C00] =	vst v63  }
0x3d: {  	s22 =	sadd.s32 $0x8000, s22;
	p6 =	sge.u32 s29, s5;
	_ =	swait.ge @!p3 [sflag:s25], $0x4000  }
0x3e: {  	p4 =	sge.u32 s19, s5;
	s26 =	simm.s32 @!p6 $0x80;
	[sflag:s25] =	ssyncset.done @!p3 $0x0  }
0x3f: {  	[sflag:s25] =	ssyncadd.s32 @!p3 $0xFFFFC000;
	s23 =	simm.s32 @!p4 $0x1;
	s25 =	simm.s32 @!p6 $0x5C00  }
0x40: {  	[tilespmem:s25], [sflag:$0x2] =	stream.indirect.gather @!p6 [hbm4b:s1+s26], $0x80, s24, s26, $0xb8;
	[tilespmem:$0x9C00] =	vst v63  }
0x41: {  	s30 =	sadd.s32 $0x1, s19;
	_ =	swait.ge @!p4 [sflag:s23], $0x4000  }
0x42: {  	s25 =	simm.s32 @!p4 $0x1C00;
	p3 =	sge.u32 s30, s5;
	[sflag:s23] =	ssyncset.done @!p4 $0x0  }
0x43: {  	s24 =	simm.s32 @!p3 $0x2;
	[sflag:s23] =	ssyncadd.s32 @!p4 $0xFFFFC000;
	s23 =	simm.s32 @!p4 $0x0  }
0x44: {  	[hbm4b:s22+s23] =	stream.linear.scatter @!p4 [tilespmem:s25], [sflag:$0x3], $0x4000, $0x38;
	[tilespmem:$0x9C00] =	vst v63  }
0x45: {  	s31 =	sadd.s32 $0x2, s19;
	_ =	swait.ge @!p3 [sflag:s24], $0x4000  }
0x46: {  	s23 =	simm.s32 @!p3 $0x0;
	s25 =	simm.s32 @!p3 $0x5C00;
	[sflag:s24] =	ssyncset.done @!p3 $0x0  }
0x47: {  	s22 =	sadd.s32 @!p3 $0x4000, s22;
	[sflag:s24] =	ssyncadd.s32 @!p3 $0xFFFFC000;
	s24 =	simm.s32 @!p4 $0x3  }
0x48: {  	[hbm4b:s22+s23] =	stream.linear.scatter @!p3 [tilespmem:s25], [sflag:$0x4], $0x4000, $0x38;
	[tilespmem:$0x9C00] =	vst v63  }
0x49: {  	p5 =	sge.u32 s31, s5;
	_ =	swait.ge @!p4 [sflag:s24], $0x4000  }
0x4a: {  	s19 =	simm.s32 @!p5 $0x1C00;
	s22 =	simm.s32 @!p3 $0x4;
	[sflag:s24] =	ssyncset.done @!p4 $0x0  }
0x4b: {  	s23 =	sadd.s32 @!p5 $0xFFFFFF80, s21;
	[sflag:s24] =	ssyncadd.s32 @!p4 $0xFFFFC000;
	s24 =	simm.s32 @!p5 $0x80  }
0x4c: {  	[tilespmem:s19], [sflag:$0x1] =	stream.indirect.gather @!p5 [hbm4b:s1+s24], $0x80, s23, s24, $0xb8;
	[tilespmem:$0x9C00] =	vst v63  }
0x4d: {  	_ =	swait.ge @!p3 [sflag:s22], $0x4000  }
0x4e: {  	p4 =	sge.u32 s20, s5;
	[sflag:s22] =	ssyncset.done @!p3 $0x0  }
0x4f: {  	s19 =	simm.s32 @!p4 $0x80;
	s20 =	simm.s32 @!p4 $0x5C00;
	[sflag:s22] =	ssyncadd.s32 @!p3 $0xFFFFC000  }
0x50: {  	[tilespmem:s20], [sflag:$0x2] =	stream.indirect.gather @!p4 [hbm4b:s1+s19], $0x80, s21, s19, $0xb8;
	[tilespmem:$0x9C00] =	vst v63  }
0x51: {  	s19 =	simm.s32 @!p2 $0x1  }
0x52: {  	s18 =	sadd.s32 $0x1, s18;
	_ =	swait.ge @!p2 [sflag:s19], $0x4000  }
0x53: {  	p3 =	sne.s32 s18, s11;
	[sflag:s19] =	ssyncset.done @!p2 $0x0  }
0x54: {  	s20 =	simm.s32 @!p2 $0x1C00;
	[sflag:s19] =	ssyncadd.s32 @!p2 $0xFFFFC000;
	s19 =	simm.s32 @!p2 $0x0  }
0x55: {  	[hbm4b:s10+s19] =	stream.linear.scatter @!p2 [tilespmem:s20], [sflag:$0x3], $0x4000, $0x38;
	[tilespmem:$0x9C00] =	vst v63  }
.Ltmp1:
0x56: {  	_ = 	snop;
	(pc) =	sbr.rel @p3 .LBB2_1-.Ltmp1, $4  }
0x57: {  	s19 =	simm.s32 @!p2 $0x3  }
0x58: {  	_ =	swait.ge @!p2 [sflag:s19], $0x4000  }
0x59: {  	[sflag:s19] =	ssyncset.done @!p2 $0x0  }
0x5a: {  	[sflag:s19] =	ssyncadd.s32 @!p2 $0xFFFFC000  }
0x5b: {  	_ =	sfence.sel $0x180000  }
0x5c: {  	[bflag:$0x0] =	sbarrier.arrive $0xFFFF  }
0x5d: {  	p0 =	sne.s32 s2, $0x0;
	_ =	strace $0x9000004A  }
0x5e: {  	s0 =	sadd.s32 @!p0 $0x100000, s0;
	[bflag:$0x2] =	sbarrier.arrive $0xFFFF  }
0x5f: {  	[sflag:s0] =	ssyncadd.tile.s32 @!p0 $0x1;
	_ =	shalt  }
.Lfunc_end2:
_tile_overlayer_lowered:
.L_overlay_start_2:
0x60: {  	(tag) =	ssettag $0x2  }
0x61: {  	s0 =	rddreg [dreg:$0x0];
	s2 =	stileid.u32  }
0x62: {  	s1 =	rddreg [dreg:$0x1];
	p0 =	sne.s32 s2, $0x0  }
0x63: {  	s3 =	rddreg [dreg:$0x2];
	[bflag:$0x3] =	sbarrier.arrive $0xFFFF;
	s2 =	simm.s32 @!p0 $0x1C05  }
0x64: {  	[timem:s3], [sflag:s2] =	dma.local @!p0 [hbm:s0], s1  }
0x65: {  	s0 =	simm.s32 @!p0 $0x5  }
0x66: {  	_ =	swait.ge @!p0 [sflag:s0], s1  }
0x67: {  	s1 =	ssub.s32 @!p0 $0x0, s1;
	[sflag:s0] =	ssyncset.done @!p0 $0x0  }
0x68: {  	[sflag:s0] =	ssyncadd.s32 @!p0 s1  }
0x69: {  	[bflag:$0x3] =	sbarrier.arrive $0xFFFF  }
0x6a: {  	_ =	shalt  }

// kernel: kernel.16.cloned.1.call-start
scs
__scs_entry_jumppad:
0x0: {  	(pc) =	sbr.rel $0x88, $3  }
0x1: {  	(tag) =	ssettag $0x0;
	lr =	simm.s32 $0x1  }
0x2: {  	[smem:$0x3F9D] =	sst lr;
	_ =	strace $0xD0000000  }
0x3: {  	_ = 	snop  }
0x4: {  	_ = 	snop  }
0x5: {  	_ = 	snop  }
0x6: {  	_ = 	snop  }
0x7: {  	_ = 	snop  }
__scs_overlays_trampoline_lowered:
0x8: {  	[smem:$0x3FAC] =	sst s0  }
0x9: {  	[smem:$0x3FAD] =	sst s1  }
0xa: {  	[smem:$0x3FAE] =	sst s2  }
0xb: {  	[smem:$0x3FAF] =	sst s3  }
0xc: {  	[smem:$0x3FB0] =	sst s4  }
0xd: {  	[smem:$0x3FB1] =	sst s5  }
0xe: {  	[smem:$0x3FB2] =	sst s6  }
0xf: {  	[smem:$0x3FB3] =	sst s7  }
0x10: {  	[smem:$0x3FB4] =	sst s8  }
0x11: {  	[smem:$0x3FB5] =	sst s9;
	s0 =	simm.s32 @!p0 $0x0  }
0x12: {  	s1 =	sld [smem:$0x3F9B];
	s0 =	simm.s32 @p0 $0x1  }
0x13: {  	[smem:$0x3FB6] =	sst s0;
	s0 =	simm.s32 @!p1 $0x0  }
0x14: {  	s2 =	sld [smem:$0x3F9A];
	s0 =	simm.s32 @p1 $0x1  }
0x15: {  	[smem:$0x3FB7] =	sst s0;
	s0 =	simm.s32 @!p2 $0x0  }
0x16: {  	s3 =	sld [smem:$0x3FDB];
	s0 =	simm.s32 @p2 $0x1  }
0x17: {  	s4 =	simm.s32 $0x1BF5;
	[smem:$0x3FB9] =	sst s0  }
0x18: {  	s0 =	sld [smem:$0x3F9C];
	_ =	swait.ge [sflag:s4], $0x0  }
0x19: {  	s7 =	sld [smem:$0x3F9D]  }
0x1a: {  	s8 =	sadd.s32 $0xFFFFE003, lr  }
0x1b: {  	s9 =	sadd.s32 $0xFFFFFEF7, lr;
	s5 =	simm.s32 $0xFFFFFFFF;
	p2 =	slt.u32 s8, $0xFFFFF086  }
0x1c: {  	p1 =	slt.u32 s9, $0xF7A;
	s5 =	simm.s32 @!p2 $0x0  }
0x1d: {  	s5 =	simm.s32 @p1 $0x1;
	p0 =	seq.s32 s7, s2  }
0x1e: {  	s7 =	smul.u32 @!p0 $0xF7A, s2;
	p2 =	seq.s32 @!p0 s5, $0x0  }
0x1f: {  	s9 =	smul.u32 $0xF7A, s1;
	s8 =	simm.s32 @!p0 $0x1BF5;
	p2 =	por !p2, p0  }
0x20: {  	[sflag:s8] =	ssyncset.s32 @!p0 $0xFFFFF086;
	s6 =	sadd.s32 @!p0 s3, s7;
	s7 =	simm.s32 @!p0 $0x108  }
0x21: {  	s3 =	sadd.s32 s3, s9;
	s6 =	sadd.s32 @!p0 $0x88, s6;
	s7 =	simm.s32 @p2 $0x1082  }
0x22: {  	[simem:s7], [sflag:s8] =	dma.local @!p0 [hbm:s6], $0xF7A  }
0x23: {  	s9 =	sor.u32 $0xD0000000, s2;
	s6 =	simm.s32 $0x108;
	_ =	swait.ge @!p0 [sflag:s8], $0x0  }
0x24: {  	s3 =	sadd.s32 $0x88, s3;
	s6 =	simm.s32 @!p1 $0x1082;
	[sflag:s4] =	ssyncset.s32 $0xFFFFF086  }
0x25: {  	[simem:s6], [sflag:s4] =	dma.local [hbm:s3], $0xF7A  }
0x26: {  	[smem:$0x3F9D] =	sst s1;
	(tag) =	ssettag s2;
	_ =	strace s9  }
0x27: {  	s1 =	sld [smem:$0x3FAD]  }
0x28: {  	s2 =	sld [smem:$0x3FAE]  }
0x29: {  	s4 =	sld [smem:$0x3FB0]  }
0x2a: {  	p0 =	seq.s32 s5, $0x0;
	s5 =	sld [smem:$0x3FB1]  }
0x2b: {  	s6 =	sld [smem:$0x3FB2]  }
0x2c: {  	s7 =	sld [smem:$0x3FB3]  }
0x2d: {  	s3 =	simm.s32 $0x108;
	s8 =	sld [smem:$0x3FB4]  }
0x2e: {  	s3 =	simm.s32 @!p0 $0x1082;
	s9 =	sld [smem:$0x3FB5]  }
0x2f: {  	lr =	sadd.s32 s0, s3;
	s0 =	sld [smem:$0x3FAC]  }
0x30: {  	s3 =	sld [smem:$0x3FAF]  }
0x31: {  	[smem:$0x3FB8] =	sst s10  }
0x32: {  	s10 =	sld [smem:$0x3FB6];
	_ =	sdelay $0x3  }
0x33: {  	p0 =	seq.s32 s10, $0x1;
	s10 =	sld [smem:$0x3FB8];
	_ =	sdelay $0x3  }
0x34: {  	[smem:$0x3FB8] =	sst s10  }
0x35: {  	s10 =	sld [smem:$0x3FB7];
	_ =	sdelay $0x3  }
0x36: {  	p1 =	seq.s32 s10, $0x1;
	s10 =	sld [smem:$0x3FB8];
	_ =	sdelay $0x3  }
0x37: {  	[smem:$0x3FB8] =	sst s10  }
0x38: {  	s10 =	sld [smem:$0x3FB9]  }
0x39: {  	_ = 	snop;
	(pc) =	sbr.ind lr, $3  }
0x3a: {  	_ = 	snop  }
0x3b: {  	_ = 	snop  }
0x3c: {  	p2 =	seq.s32 s10, $0x1;
	s10 =	sld [smem:$0x3FB8]  }
0x3d: {  	_ =	shalt  }
0x3e: {  	_ =	shalt  }
0x3f: {  	_ =	shalt  }
0x40: {  	_ =	shalt  }
0x41: {  	_ =	shalt  }
0x42: {  	_ =	shalt  }
0x43: {  	_ =	shalt  }
0x44: {  	_ =	shalt  }
0x45: {  	_ =	shalt  }
0x46: {  	_ =	shalt  }
0x47: {  	_ =	shalt  }
0x48: {  	_ =	shalt  }
0x49: {  	_ =	shalt  }
0x4a: {  	_ =	shalt  }
0x4b: {  	_ =	shalt  }
0x4c: {  	_ =	shalt  }
0x4d: {  	_ =	shalt  }
0x4e: {  	_ =	shalt  }
0x4f: {  	_ =	shalt  }
0x50: {  	_ =	shalt  }
0x51: {  	_ =	shalt  }
0x52: {  	_ =	shalt  }
0x53: {  	_ =	shalt  }
0x54: {  	_ =	shalt  }
0x55: {  	_ =	shalt  }
0x56: {  	_ =	shalt  }
0x57: {  	_ =	shalt  }
0x58: {  	_ =	shalt  }
0x59: {  	_ =	shalt  }
0x5a: {  	_ =	shalt  }
0x5b: {  	_ =	shalt  }
0x5c: {  	_ =	shalt  }
0x5d: {  	_ =	shalt  }
0x5e: {  	_ =	shalt  }
0x5f: {  	_ =	shalt  }
0x60: {  	_ =	shalt  }
0x61: {  	_ =	shalt  }
0x62: {  	_ =	shalt  }
0x63: {  	_ =	shalt  }
0x64: {  	_ =	shalt  }
0x65: {  	_ =	shalt  }
0x66: {  	_ =	shalt  }
0x67: {  	_ =	shalt  }
0x68: {  	_ =	shalt  }
0x69: {  	_ =	shalt  }
0x6a: {  	_ =	shalt  }
0x6b: {  	_ =	shalt  }
0x6c: {  	_ =	shalt  }
0x6d: {  	_ =	shalt  }
0x6e: {  	_ =	shalt  }
0x6f: {  	_ =	shalt  }
0x70: {  	_ =	shalt  }
0x71: {  	_ =	shalt  }
0x72: {  	_ =	shalt  }
0x73: {  	_ =	shalt  }
0x74: {  	_ =	shalt  }
0x75: {  	_ =	shalt  }
0x76: {  	_ =	shalt  }
0x77: {  	_ =	shalt  }
0x78: {  	_ =	shalt  }
0x79: {  	_ =	shalt  }
0x7a: {  	_ =	shalt  }
0x7b: {  	_ =	shalt  }
0x7c: {  	_ =	shalt  }
0x7d: {  	_ =	shalt  }
0x7e: {  	_ =	shalt  }
0x7f: {  	_ =	shalt  }
0x80: {  	_ =	shalt  }
0x81: {  	_ =	shalt  }
0x82: {  	_ =	shalt  }
0x83: {  	_ =	shalt  }
0x84: {  	_ =	shalt  }
0x85: {  	_ =	shalt  }
0x86: {  	_ =	shalt  }
0x87: {  	_ =	shalt  }
.Lfunc_end0:
.L_simem_size_0:
called_computation.2_lowered:
.L_overlay_start_0:
0x88: {  	s2 =	sld [smem:$0x3FD9]  }
0x89: {  	s3 =	sld [smem:$0x3FFE];
	_ =	sdelay $0x1  }
0x8a: {  	s1 =	srdreg.scid  }
0x8b: {  	s0 =	sand.u32 $0x1, s1  }
0x8c: {  	s17 =	sshll.u32 s0, $0xA;
	s2 =	sadd.s32 s3, s2  }
0x8d: {  	s2 =	sadd.s32 s2, s17  }
0x8e: {  	[smem:$0x3FC4] =	sst s2  }
0x8f: {  	_ = 	snop  }
0x90: {  	s18 =	sld [smem:$0x3FC9]  }
0x91: {  	s4 =	sld [smem:$0x3FC8];
	(tm) =	ssettm $0x1  }
0x92: {  	s19 =	sld [smem:$0x3FFB];
	_ =	sdelay $0x3  }
0x93: {  	_ =	strace s19  }
0x94: {  	s2 =	sld [smem:$0x3FFC];
	_ =	sdelay $0x3  }
0x95: {  	_ =	strace s2  }
0x96: {  	s2 =	sld [smem:$0x3FFD];
	_ =	sdelay $0x3  }
0x97: {  	_ =	strace s2  }
0x98: {  	_ =	strace $0x8FFFFFFF  }
0x99: {  	s20 =	sld [smem:$0x3FDB];
	_ =	sdelay $0x1  }
0x9a: {  	s5 =	simm.s32 $_scs_section_size  }
0x9b: {  	s6 =	simm.s32 $_size__tile_overlayer_lowered;
	s7 =	simm.s32 $_tile_overlayer_lowered  }
0x9c: {  	s8 =	simm.s32 $0x1BFF;
	s21 =	sshll.u32 s7, $0x1;
	s5 =	sadd.s32 s5, s20  }
0x9d: {  	s22 =	simm.s32 $0x0;
	s6 =	sshll.u32 s6, $0x1;
	s7 =	sadd.s32 s21, s5  }
0x9e: {  	[timem:s22], [sflag:s8] =	dma.local [hbm:s7], s6  }
0x9f: {  	_ =	swait.ge [sflag:s8], s6  }
0xa0: {  	s6 =	ssub.s32 $0x0, s6;
	[sflag:s8] =	ssyncset.done $0x0  }
0xa1: {  	[sflag:s8] =	ssyncadd.s32 s6;
	_ =	sdelay $0x1  }
0xa2: {  	s23 =	simm.s32 $0x1B8B  }
0xa3: {  	_ =	swait.ge [sflag:s23], $0x1  }
0xa4: {  	[sflag:s23] =	ssyncset.done $0x0  }
0xa5: {  	[sflag:s23] =	ssyncadd.s32 $0xFFFFFFFF  }
0xa6: {  	s6 =	sld [smem:$0x0]  }
0xa7: {  	s7 =	sand.u32 $0xFFFFFFFE, s1  }
0xa8: {  	p0 =	sne.s32 s1, s7  }
0xa9: {  	s7 =	sshll.u32 @p0 s7, $0xE  }
0xaa: {  	s7 =	sadd.s32 @p0 $0x11B8D, s7;
	s8 =	sshll.u32 @p0 s6, $0x11  }
0xab: {  	s7 =	sor.u32 @p0 s8, s7  }
0xac: {  	[sflag:s7] =	ssyncadd.remote.s32 @p0 $0x1;
	_ =	sdelay $0x1  }
0xad: {  	s7 =	simm.s32 @p0 $0x1B8D  }
0xae: {  	_ =	swait.eq @p0 [sflag:s7], $0x1  }
0xaf: {  	[sflag:s7] =	ssyncadd.s32 @p0 $0xFFFFFFFF  }
0xb0: {  	s8 =	sshll.u32 @!p0 s1, $0xE  }
0xb1: {  	s8 =	sor.u32 @!p0 $0x4000, s8;
	s7 =	simm.s32 @!p0 $0x1B8D  }
0xb2: {  	s6 =	sshll.u32 @!p0 s6, $0x11;
	s8 =	sadd.s32 @!p0 $0x11B8D, s8;
	_ =	swait.eq @!p0 [sflag:s7], $0x1  }
0xb3: {  	s6 =	sor.u32 @!p0 s6, s8;
	[sflag:s7] =	ssyncadd.s32 @!p0 $0xFFFFFFFF  }
0xb4: {  	s25 =	simm.s32 $0x1B8E;
	s24 =	sld [smem:$0x3FFE];
	[sflag:s6] =	ssyncadd.remote.s32 @!p0 $0x1  }
0xb5: {  	s26 =	simm.s32 $execute0_lowered;
	[smem:$0x3FD2] =	sst s25  }
0xb6: {  	s7 =	sshll.u32 s26, $0x1;
	_ =	strace $0x8000004C;
	[dreg:$0x1] =	wrdreg $0xFFFFFFFF  }
0xb7: {  	s28 =	simm.s32 $_size_execute0_lowered;
	s5 =	sadd.s32 s5, s7;
	[dreg:$0x0] =	wrdreg $0x0  }
0xb8: {  	s7 =	sshll.u32 s28, $0x1;
	[dreg:$0x2] =	wrdreg s5  }
0xb9: {  	[dreg:$0x3] =	wrdreg s7  }
0xba: {  	[dreg:$0x4] =	wrdreg $0xC0  }
0xbb: {  	_ =	task [dreg:s22], $0x5FFFF  }
0xbc: {  	[dreg:$0x1] =	wrdreg $0xFFFFFFFF  }
0xbd: {  	[dreg:$0x0] =	wrdreg $0x60  }
0xbe: {  	[dreg:$0x2] =	wrdreg s4  }
0xbf: {  	[dreg:$0x3] =	wrdreg s18  }
0xc0: {  	[dreg:$0x4] =	wrdreg s24  }
0xc1: {  	[dreg:$0x5] =	wrdreg $0xB  }
0xc2: {  	_ =	task.clear_ibuf [dreg:s22], $0x6FFFF;
	_ =	strace $0x9000004C  }
0xc3: {  	s29 =	simm.s32 $0xB;
	_ =	strace $0x8000004E  }
0xc4: {  	_ =	swait.ge [sflag:s29], $0x1  }
0xc5: {  	[sflag:s29] =	ssyncadd.s32 $0xFFFFFFFF  }
0xc6: {  	_ =	strace $0x9000004E  }
0xc7: {  	_ =	sfence  }
0xc8: {  	s30 =	sld [smem:$0x0];
	_ =	sdelay $0x2  }
0xc9: {  	s31 =	sshll.u32 s1, $0xD;
	s1 =	sshrl.u32 s1, $0x2  }
0xca: {  	s4 =	sand.u32 $0x4000, s31;
	s1 =	sadd.s32 s1, s30  }
0xcb: {  	s0 =	sor.u32 s4, s0;
	s1 =	sshll.u32 s1, $0x11  }
0xcc: {  	s0 =	sor.u32 s1, s0  }
0xcd: {  	s0 =	sadd.s32 $0x8F2B, s0  }
0xce: {  	[sflag:s0] =	ssyncadd.remote.s32 $0x1  }
0xcf: {  	_ =	sfence.sel $0xFFFF  }
0xd0: {  	[dreg:$0x0] =	wrdreg $0xFFFFFFFF;
	(pc) =	sbr.abs _section_cstart, $3  }
0xd1: {  	[dreg:$0x1] =	wrdreg $0xFFFFFFFF  }
0xd2: {  	_ =	task.clear_ibuf [dreg:s22], $0x2FFFF;
	_ =	strace $0x9FFFFFFF  }
0xd3: {  	(tm) =	ssettm $0x7FFFFFFF  }
tec
execute0_lowered:
.L_overlay_start_1:
0x0: {  	(tag) =	ssettag $0x1  }
0x1: {  	s1 =	rddreg [dreg:$0x0]  }
0x2: {  	s6 =	rddreg [dreg:$0x1]  }
0x3: {  	s5 =	rddreg [dreg:$0x2]  }
0x4: {  	s0 =	rddreg [dreg:$0x3];
	s3 =	simm.s32 $0x0;
	s4 =	srdreg.scid  }
0x5: {  	s2 =	stileid.u32;
	s17 =	simm.s32 $0x5;
	[smem:$0x7FF] =	sst s3  }
0x6: {  	s10 =	sand.u32 $0x1, s4;
	s23 =	sshll.u32 s2, $0x1;
	s9 =	sshrl.u32 s2, $0x2  }
0x7: {  	s11 =	sadd.s32 $0x191400, s5;
	s29 =	sand.u32 $0x3, s2;
	s4 =	smul.u32 $0xD, s9  }
0x8: {  	_ =	strace $0x8000004D;
	s7 =	ssub.s32 $0x2, s10;
	s14 =	smul.u32 $0x1A00, s9  }
0x9: {  	s8 =	sand.u32 $0x6, s23;
	s28 =	smul.u32 $0x34000, s9;
	s30 =	sshll.u32 s29, $0xC  }
0xa: {  	s16 =	sshll.u32 s10, $0xB;
	s24 =	sshrl.u32 s7, $0x1;
	s12 =	sor.u32 s10, s8  }
0xb: {  	s25 =	smin.u32 s4, $0x25;
	s13 =	sshll.u32 s12, $0x7;
	s15 =	ssub.s32 s7, s24  }
0xc: {  	s8 =	sshrl.u32 s14, $0x2;
	s18 =	sadd.s32 $0x1, s4;
	s12 =	sshll.u32 s12, $0xB  }
0xd: {  	s19 =	sadd.s32 $0xC, s4;
	s14 =	simm.s32 $0x400;
	s5 =	sadd.s32 $0xD, s25  }
0xe: {  	s26 =	sadd.s32 s13, s6;
	s9 =	sshll.u32 s18, $0x7;
	s12 =	sadd.s32 s11, s12  }
0xf: {  	s11 =	sadd.s32 s28, s11;
	s31 =	sshll.u32 s19, $0xE;
	s6 =	sadd.s32 $0x800, s26  }
0x10: {  	s7 =	sadd.s32 $0x6800, s26;
	s13 =	sadd.s32 s30, s11;
	s10 =	sadd.s32 s31, s12  }
0x11: {  	s11 =	smax.u32 s15, $0x1;
	p0 =	sge.u32 s4, s5;
	s15 =	simm.s32 $0x8000  }
0x12: {  	p1 =	sge.u32 s18, s5;
	p2 =	sge.u32 s19, s5;
	s18 =	simm.s32 $0x0  }
0x13: {  	s12 =	sadd.s32 s16, s13;
	s13 =	sadd.s32 $0x180, s8;
	s16 =	simm.s32 $0x1800  }
.LBB2_1:
0x14: {  	[tilespmem:s3], [sflag:$0x5] =	stream.strided.gather [hbm4b:s6+s14], $0x1800, s15, s14, $0x38;
	[tilespmem:$0x9C00] =	vst v63  }
0x15: {  	_ = 	snop  }
0x16: {  	[tilespmem:s16], [sflag:$0x5] =	stream.linear.gather [hbm4b:s7+s3], $0x100, $0x38;
	[tilespmem:$0x9C00] =	vst v63  }
0x17: {  	_ =	swait.ge [sflag:s17], $0x1900  }
0x18: {  	s19 =	simm.s32 @!p0 $0x80;
	s29 =	sadd.s32 $0x0, s4;
	[sflag:s17] =	ssyncset.done $0x0  }
0x19: {  	s20 =	simm.s32 @!p0 $0x1C00;
	p4 =	sge.u32 s29, s5;
	[sflag:s17] =	ssyncadd.s32 $0xFFFFE700  }
0x1a: {  	[tilespmem:s20], [sflag:$0x1] =	stream.indirect.gather @!p0 [hbm4b:s1+s19], $0x80, s8, s19, $0xb8;
	[tilespmem:$0x9C00] =	vst v63  }
0x1b: {  	s21 =	sadd.s32 $0x1, s29;
	s19 =	simm.s32 @!p1 $0x80;
	s20 =	simm.s32 @!p1 $0x5C00  }
0x1c: {  	[tilespmem:s20], [sflag:$0x2] =	stream.indirect.gather @!p1 [hbm4b:s1+s19], $0x80, s9, s19, $0xb8;
	[tilespmem:$0x9C00] =	vst v63  }
0x1d: {  	s30 =	sadd.s32 $0x3, s29;
	s31 =	sadd.s32 $0x2, s29;
	s19 =	simm.s32 @!p4 $0x1  }
0x1e: {  	s22 =	simm.s32 @!p4 $0x1C00;
	p3 =	sge.u32 s21, s5;
	_ =	swait.ge @!p4 [sflag:s19], $0x4000  }
0x1f: {  	s25 =	simm.s32 @!p4 $0x3;
	p5 =	sge.u32 s31, s5;
	[sflag:s19] =	ssyncset.done @!p4 $0x0  }
0x20: {  	s21 =	simm.s32 @!p3 $0x2;
	[sflag:s19] =	ssyncadd.s32 @!p4 $0xFFFFC000;
	s19 =	simm.s32 @!p4 $0x0  }
0x21: {  	[hbm4b:s12+s19] =	stream.linear.scatter @!p4 [tilespmem:s22], [sflag:$0x3], $0x4000, $0x38;
	[tilespmem:$0x9C00] =	vst v63  }
0x22: {  	p6 =	sge.u32 s30, s5;
	s23 =	simm.s32 @!p3 $0x0;
	_ =	swait.ge @!p3 [sflag:s21], $0x4000  }
0x23: {  	s24 =	simm.s32 @!p3 $0x5C00;
	s26 =	sadd.s32 @!p5 $0xFFFFFF80, s13;
	[sflag:s21] =	ssyncset.done @!p3 $0x0  }
0x24: {  	s28 =	simm.s32 @!p5 $0x80;
	[sflag:s21] =	ssyncadd.s32 @!p3 $0xFFFFC000;
	s21 =	sadd.s32 @!p3 $0x4000, s12  }
0x25: {  	[hbm4b:s21+s23] =	stream.linear.scatter @!p3 [tilespmem:s24], [sflag:$0x4], $0x4000, $0x38;
	[tilespmem:$0x9C00] =	vst v63  }
0x26: {  	s19 =	sadd.s32 $0x2, s4;
	s22 =	sadd.s32 $0x8000, s12;
	_ =	swait.ge @!p4 [sflag:s25], $0x4000  }
0x27: {  	s20 =	sadd.s32 $0x3, s19;
	s23 =	simm.s32 $0x4;
	[sflag:s25] =	ssyncset.done @!p4 $0x0  }
0x28: {  	s24 =	simm.s32 @!p5 $0x1C00;
	[sflag:s25] =	ssyncadd.s32 @!p4 $0xFFFFC000;
	s25 =	simm.s32 @!p3 $0x4  }
0x29: {  	[tilespmem:s24], [sflag:$0x1] =	stream.indirect.gather @!p5 [hbm4b:s1+s28], $0x80, s26, s28, $0xb8;
	[tilespmem:$0x9C00] =	vst v63  }
0x2a: {  	s21 =	sadd.s32 $0x100, s13;
	p4 =	sge.u32 s19, s5;
	_ =	swait.ge @!p3 [sflag:s25], $0x4000  }
0x2b: {  	s26 =	simm.s32 @!p6 $0x80;
	s24 =	smov.u32 s13;
	[sflag:s25] =	ssyncset.done @!p3 $0x0  }
.LBB2_2:
0x2c: {  	s28 =	sadd.s32 s23, s4;
	s23 =	sadd.s32 $0x2, s23;
	[sflag:s25] =	ssyncadd.s32 @!p3 $0xFFFFC000  }
0x2d: {  	s25 =	simm.s32 @!p4 $0x1;
	s29 =	simm.s32 @!p6 $0x5C00;
	p5 =	sne.s32 s23, $0xC  }
0x2e: {  	[tilespmem:s29], [sflag:$0x2] =	stream.indirect.gather @!p6 [hbm4b:s1+s26], $0x80, s24, s26, $0xb8;
	[tilespmem:$0x9C00] =	vst v63  }
0x2f: {  	s24 =	sadd.s32 $0x3, s28;
	s26 =	sadd.s32 $0x1, s19;
	_ =	swait.ge @!p4 [sflag:s25], $0x4000  }
0x30: {  	s29 =	simm.s32 @!p4 $0x1C00;
	p3 =	sge.u32 s26, s5;
	[sflag:s25] =	ssyncset.done @!p4 $0x0  }
0x31: {  	s26 =	simm.s32 @!p3 $0x2;
	[sflag:s25] =	ssyncadd.s32 @!p4 $0xFFFFC000;
	s25 =	simm.s32 @!p4 $0x0  }
0x32: {  	[hbm4b:s22+s25] =	stream.linear.scatter @!p4 [tilespmem:s29], [sflag:$0x3], $0x4000, $0x38;
	[tilespmem:$0x9C00] =	vst v63  }
0x33: {  	s29 =	smov.u32 s20;
	s20 =	smov.u32 s24;
	_ =	swait.ge @!p3 [sflag:s26], $0x4000  }
0x34: {  	s24 =	simm.s32 @!p3 $0x0;
	s25 =	simm.s32 @!p3 $0x5C00;
	[sflag:s26] =	ssyncset.done @!p3 $0x0  }
0x35: {  	s30 =	simm.s32 @!p4 $0x3;
	[sflag:s26] =	ssyncadd.s32 @!p3 $0xFFFFC000;
	s26 =	sadd.s32 @!p3 $0x4000, s22  }
0x36: {  	[hbm4b:s26+s24] =	stream.linear.scatter @!p3 [tilespmem:s25], [sflag:$0x4], $0x4000, $0x38;
	[tilespmem:$0x9C00] =	vst v63  }
0x37: {  	s24 =	sadd.s32 $0x2, s19  }
0x38: {  	s19 =	smov.u32 s28;
	s25 =	simm.s32 @!p3 $0x4;
	_ =	swait.ge @!p4 [sflag:s30], $0x4000  }
0x39: {  	p6 =	sge.u32 s24, s5;
	s24 =	smov.u32 s21;
	[sflag:s30] =	ssyncset.done @!p4 $0x0  }
.Ltmp0:
0x3a: {  	s26 =	simm.s32 @!p6 $0x1C00;
	[sflag:s30] =	ssyncadd.s32 @!p4 $0xFFFFC000;
	(pc) =	sbr.rel @p5 .LBB2_2-.Ltmp0, $4  }
0x3b: {  	s21 =	sadd.s32 $0x100, s21;
	s28 =	sadd.s32 @!p6 $0xFFFFFF80, s24;
	s30 =	simm.s32 @!p6 $0x80  }
0x3c: {  	[tilespmem:s26], [sflag:$0x1] =	stream.indirect.gather @!p6 [hbm4b:s1+s30], $0x80, s28, s30, $0xb8;
	[tilespmem:$0x9C00] =	vst v63  }
0x3d: {  	s22 =	sadd.s32 $0x8000, s22;
	p6 =	sge.u32 s29, s5;
	_ =	swait.ge @!p3 [sflag:s25], $0x4000  }
0x3e: {  	p4 =	sge.u32 s19, s5;
	s26 =	simm.s32 @!p6 $0x80;
	[sflag:s25] =	ssyncset.done @!p3 $0x0  }
0x3f: {  	[sflag:s25] =	ssyncadd.s32 @!p3 $0xFFFFC000;
	s23 =	simm.s32 @!p4 $0x1;
	s25 =	simm.s32 @!p6 $0x5C00  }
0x40: {  	[tilespmem:s25], [sflag:$0x2] =	stream.indirect.gather @!p6 [hbm4b:s1+s26], $0x80, s24, s26, $0xb8;
	[tilespmem:$0x9C00] =	vst v63  }
0x41: {  	s30 =	sadd.s32 $0x1, s19;
	_ =	swait.ge @!p4 [sflag:s23], $0x4000  }
0x42: {  	s25 =	simm.s32 @!p4 $0x1C00;
	p3 =	sge.u32 s30, s5;
	[sflag:s23] =	ssyncset.done @!p4 $0x0  }
0x43: {  	s24 =	simm.s32 @!p3 $0x2;
	[sflag:s23] =	ssyncadd.s32 @!p4 $0xFFFFC000;
	s23 =	simm.s32 @!p4 $0x0  }
0x44: {  	[hbm4b:s22+s23] =	stream.linear.scatter @!p4 [tilespmem:s25], [sflag:$0x3], $0x4000, $0x38;
	[tilespmem:$0x9C00] =	vst v63  }
0x45: {  	s31 =	sadd.s32 $0x2, s19;
	_ =	swait.ge @!p3 [sflag:s24], $0x4000  }
0x46: {  	s23 =	simm.s32 @!p3 $0x0;
	s25 =	simm.s32 @!p3 $0x5C00;
	[sflag:s24] =	ssyncset.done @!p3 $0x0  }
0x47: {  	s22 =	sadd.s32 @!p3 $0x4000, s22;
	[sflag:s24] =	ssyncadd.s32 @!p3 $0xFFFFC000;
	s24 =	simm.s32 @!p4 $0x3  }
0x48: {  	[hbm4b:s22+s23] =	stream.linear.scatter @!p3 [tilespmem:s25], [sflag:$0x4], $0x4000, $0x38;
	[tilespmem:$0x9C00] =	vst v63  }
0x49: {  	p5 =	sge.u32 s31, s5;
	_ =	swait.ge @!p4 [sflag:s24], $0x4000  }
0x4a: {  	s19 =	simm.s32 @!p5 $0x1C00;
	s22 =	simm.s32 @!p3 $0x4;
	[sflag:s24] =	ssyncset.done @!p4 $0x0  }
0x4b: {  	s23 =	sadd.s32 @!p5 $0xFFFFFF80, s21;
	[sflag:s24] =	ssyncadd.s32 @!p4 $0xFFFFC000;
	s24 =	simm.s32 @!p5 $0x80  }
0x4c: {  	[tilespmem:s19], [sflag:$0x1] =	stream.indirect.gather @!p5 [hbm4b:s1+s24], $0x80, s23, s24, $0xb8;
	[tilespmem:$0x9C00] =	vst v63  }
0x4d: {  	_ =	swait.ge @!p3 [sflag:s22], $0x4000  }
0x4e: {  	p4 =	sge.u32 s20, s5;
	[sflag:s22] =	ssyncset.done @!p3 $0x0  }
0x4f: {  	s19 =	simm.s32 @!p4 $0x80;
	s20 =	simm.s32 @!p4 $0x5C00;
	[sflag:s22] =	ssyncadd.s32 @!p3 $0xFFFFC000  }
0x50: {  	[tilespmem:s20], [sflag:$0x2] =	stream.indirect.gather @!p4 [hbm4b:s1+s19], $0x80, s21, s19, $0xb8;
	[tilespmem:$0x9C00] =	vst v63  }
0x51: {  	s19 =	simm.s32 @!p2 $0x1  }
0x52: {  	s18 =	sadd.s32 $0x1, s18;
	_ =	swait.ge @!p2 [sflag:s19], $0x4000  }
0x53: {  	p3 =	sne.s32 s18, s11;
	[sflag:s19] =	ssyncset.done @!p2 $0x0  }
0x54: {  	s20 =	simm.s32 @!p2 $0x1C00;
	[sflag:s19] =	ssyncadd.s32 @!p2 $0xFFFFC000;
	s19 =	simm.s32 @!p2 $0x0  }
0x55: {  	[hbm4b:s10+s19] =	stream.linear.scatter @!p2 [tilespmem:s20], [sflag:$0x3], $0x4000, $0x38;
	[tilespmem:$0x9C00] =	vst v63  }
.Ltmp1:
0x56: {  	_ = 	snop;
	(pc) =	sbr.rel @p3 .LBB2_1-.Ltmp1, $4  }
0x57: {  	s19 =	simm.s32 @!p2 $0x3  }
0x58: {  	_ =	swait.ge @!p2 [sflag:s19], $0x4000  }
0x59: {  	[sflag:s19] =	ssyncset.done @!p2 $0x0  }
0x5a: {  	[sflag:s19] =	ssyncadd.s32 @!p2 $0xFFFFC000  }
0x5b: {  	_ =	sfence.sel $0x180000  }
0x5c: {  	[bflag:$0x0] =	sbarrier.arrive $0xFFFF  }
0x5d: {  	p0 =	sne.s32 s2, $0x0;
	_ =	strace $0x9000004D  }
0x5e: {  	s0 =	sadd.s32 @!p0 $0x100000, s0;
	[bflag:$0x2] =	sbarrier.arrive $0xFFFF  }
0x5f: {  	[sflag:s0] =	ssyncadd.tile.s32 @!p0 $0x1;
	_ =	shalt  }
.Lfunc_end2:
_tile_overlayer_lowered:
.L_overlay_start_2:
0x60: {  	(tag) =	ssettag $0x2  }
0x61: {  	s0 =	rddreg [dreg:$0x0];
	s2 =	stileid.u32  }
0x62: {  	s1 =	rddreg [dreg:$0x1];
	p0 =	sne.s32 s2, $0x0  }
0x63: {  	s3 =	rddreg [dreg:$0x2];
	[bflag:$0x3] =	sbarrier.arrive $0xFFFF;
	s2 =	simm.s32 @!p0 $0x1C05  }
0x64: {  	[timem:s3], [sflag:s2] =	dma.local @!p0 [hbm:s0], s1  }
0x65: {  	s0 =	simm.s32 @!p0 $0x5  }
0x66: {  	_ =	swait.ge @!p0 [sflag:s0], s1  }
0x67: {  	s1 =	ssub.s32 @!p0 $0x0, s1;
	[sflag:s0] =	ssyncset.done @!p0 $0x0  }
0x68: {  	[sflag:s0] =	ssyncadd.s32 @!p0 s1  }
0x69: {  	[bflag:$0x3] =	sbarrier.arrive $0xFFFF  }
0x6a: {  	_ =	shalt  }

// kernel: kernel.19.cloned.1.call-start
scs
__scs_entry_jumppad:
0x0: {  	(pc) =	sbr.rel $0x88, $3  }
0x1: {  	(tag) =	ssettag $0x0;
	lr =	simm.s32 $0x1  }
0x2: {  	[smem:$0x3F9D] =	sst lr;
	_ =	strace $0xD0000000  }
0x3: {  	_ = 	snop  }
0x4: {  	_ = 	snop  }
0x5: {  	_ = 	snop  }
0x6: {  	_ = 	snop  }
0x7: {  	_ = 	snop  }
__scs_overlays_trampoline_lowered:
0x8: {  	[smem:$0x3FAC] =	sst s0  }
0x9: {  	[smem:$0x3FAD] =	sst s1  }
0xa: {  	[smem:$0x3FAE] =	sst s2  }
0xb: {  	[smem:$0x3FAF] =	sst s3  }
0xc: {  	[smem:$0x3FB0] =	sst s4  }
0xd: {  	[smem:$0x3FB1] =	sst s5  }
0xe: {  	[smem:$0x3FB2] =	sst s6  }
0xf: {  	[smem:$0x3FB3] =	sst s7  }
0x10: {  	[smem:$0x3FB4] =	sst s8  }
0x11: {  	[smem:$0x3FB5] =	sst s9;
	s0 =	simm.s32 @!p0 $0x0  }
0x12: {  	s1 =	sld [smem:$0x3F9B];
	s0 =	simm.s32 @p0 $0x1  }
0x13: {  	[smem:$0x3FB6] =	sst s0;
	s0 =	simm.s32 @!p1 $0x0  }
0x14: {  	s2 =	sld [smem:$0x3F9A];
	s0 =	simm.s32 @p1 $0x1  }
0x15: {  	[smem:$0x3FB7] =	sst s0;
	s0 =	simm.s32 @!p2 $0x0  }
0x16: {  	s3 =	sld [smem:$0x3FDB];
	s0 =	simm.s32 @p2 $0x1  }
0x17: {  	s4 =	simm.s32 $0x1BF5;
	[smem:$0x3FB9] =	sst s0  }
0x18: {  	s0 =	sld [smem:$0x3F9C];
	_ =	swait.ge [sflag:s4], $0x0  }
0x19: {  	s7 =	sld [smem:$0x3F9D]  }
0x1a: {  	s8 =	sadd.s32 $0xFFFFE003, lr  }
0x1b: {  	s9 =	sadd.s32 $0xFFFFFEF7, lr;
	s5 =	simm.s32 $0xFFFFFFFF;
	p2 =	slt.u32 s8, $0xFFFFF086  }
0x1c: {  	p1 =	slt.u32 s9, $0xF7A;
	s5 =	simm.s32 @!p2 $0x0  }
0x1d: {  	s5 =	simm.s32 @p1 $0x1;
	p0 =	seq.s32 s7, s2  }
0x1e: {  	s7 =	smul.u32 @!p0 $0xF7A, s2;
	p2 =	seq.s32 @!p0 s5, $0x0  }
0x1f: {  	s9 =	smul.u32 $0xF7A, s1;
	s8 =	simm.s32 @!p0 $0x1BF5;
	p2 =	por !p2, p0  }
0x20: {  	[sflag:s8] =	ssyncset.s32 @!p0 $0xFFFFF086;
	s6 =	sadd.s32 @!p0 s3, s7;
	s7 =	simm.s32 @!p0 $0x108  }
0x21: {  	s3 =	sadd.s32 s3, s9;
	s6 =	sadd.s32 @!p0 $0x88, s6;
	s7 =	simm.s32 @p2 $0x1082  }
0x22: {  	[simem:s7], [sflag:s8] =	dma.local @!p0 [hbm:s6], $0xF7A  }
0x23: {  	s9 =	sor.u32 $0xD0000000, s2;
	s6 =	simm.s32 $0x108;
	_ =	swait.ge @!p0 [sflag:s8], $0x0  }
0x24: {  	s3 =	sadd.s32 $0x88, s3;
	s6 =	simm.s32 @!p1 $0x1082;
	[sflag:s4] =	ssyncset.s32 $0xFFFFF086  }
0x25: {  	[simem:s6], [sflag:s4] =	dma.local [hbm:s3], $0xF7A  }
0x26: {  	[smem:$0x3F9D] =	sst s1;
	(tag) =	ssettag s2;
	_ =	strace s9  }
0x27: {  	s1 =	sld [smem:$0x3FAD]  }
0x28: {  	s2 =	sld [smem:$0x3FAE]  }
0x29: {  	s4 =	sld [smem:$0x3FB0]  }
0x2a: {  	p0 =	seq.s32 s5, $0x0;
	s5 =	sld [smem:$0x3FB1]  }
0x2b: {  	s6 =	sld [smem:$0x3FB2]  }
0x2c: {  	s7 =	sld [smem:$0x3FB3]  }
0x2d: {  	s3 =	simm.s32 $0x108;
	s8 =	sld [smem:$0x3FB4]  }
0x2e: {  	s3 =	simm.s32 @!p0 $0x1082;
	s9 =	sld [smem:$0x3FB5]  }
0x2f: {  	lr =	sadd.s32 s0, s3;
	s0 =	sld [smem:$0x3FAC]  }
0x30: {  	s3 =	sld [smem:$0x3FAF]  }
0x31: {  	[smem:$0x3FB8] =	sst s10  }
0x32: {  	s10 =	sld [smem:$0x3FB6];
	_ =	sdelay $0x3  }
0x33: {  	p0 =	seq.s32 s10, $0x1;
	s10 =	sld [smem:$0x3FB8];
	_ =	sdelay $0x3  }
0x34: {  	[smem:$0x3FB8] =	sst s10  }
0x35: {  	s10 =	sld [smem:$0x3FB7];
	_ =	sdelay $0x3  }
0x36: {  	p1 =	seq.s32 s10, $0x1;
	s10 =	sld [smem:$0x3FB8];
	_ =	sdelay $0x3  }
0x37: {  	[smem:$0x3FB8] =	sst s10  }
0x38: {  	s10 =	sld [smem:$0x3FB9]  }
0x39: {  	_ = 	snop;
	(pc) =	sbr.ind lr, $3  }
0x3a: {  	_ = 	snop  }
0x3b: {  	_ = 	snop  }
0x3c: {  	p2 =	seq.s32 s10, $0x1;
	s10 =	sld [smem:$0x3FB8]  }
0x3d: {  	_ =	shalt  }
0x3e: {  	_ =	shalt  }
0x3f: {  	_ =	shalt  }
0x40: {  	_ =	shalt  }
0x41: {  	_ =	shalt  }
0x42: {  	_ =	shalt  }
0x43: {  	_ =	shalt  }
0x44: {  	_ =	shalt  }
0x45: {  	_ =	shalt  }
0x46: {  	_ =	shalt  }
0x47: {  	_ =	shalt  }
0x48: {  	_ =	shalt  }
0x49: {  	_ =	shalt  }
0x4a: {  	_ =	shalt  }
0x4b: {  	_ =	shalt  }
0x4c: {  	_ =	shalt  }
0x4d: {  	_ =	shalt  }
0x4e: {  	_ =	shalt  }
0x4f: {  	_ =	shalt  }
0x50: {  	_ =	shalt  }
0x51: {  	_ =	shalt  }
0x52: {  	_ =	shalt  }
0x53: {  	_ =	shalt  }
0x54: {  	_ =	shalt  }
0x55: {  	_ =	shalt  }
0x56: {  	_ =	shalt  }
0x57: {  	_ =	shalt  }
0x58: {  	_ =	shalt  }
0x59: {  	_ =	shalt  }
0x5a: {  	_ =	shalt  }
0x5b: {  	_ =	shalt  }
0x5c: {  	_ =	shalt  }
0x5d: {  	_ =	shalt  }
0x5e: {  	_ =	shalt  }
0x5f: {  	_ =	shalt  }
0x60: {  	_ =	shalt  }
0x61: {  	_ =	shalt  }
0x62: {  	_ =	shalt  }
0x63: {  	_ =	shalt  }
0x64: {  	_ =	shalt  }
0x65: {  	_ =	shalt  }
0x66: {  	_ =	shalt  }
0x67: {  	_ =	shalt  }
0x68: {  	_ =	shalt  }
0x69: {  	_ =	shalt  }
0x6a: {  	_ =	shalt  }
0x6b: {  	_ =	shalt  }
0x6c: {  	_ =	shalt  }
0x6d: {  	_ =	shalt  }
0x6e: {  	_ =	shalt  }
0x6f: {  	_ =	shalt  }
0x70: {  	_ =	shalt  }
0x71: {  	_ =	shalt  }
0x72: {  	_ =	shalt  }
0x73: {  	_ =	shalt  }
0x74: {  	_ =	shalt  }
0x75: {  	_ =	shalt  }
0x76: {  	_ =	shalt  }
0x77: {  	_ =	shalt  }
0x78: {  	_ =	shalt  }
0x79: {  	_ =	shalt  }
0x7a: {  	_ =	shalt  }
0x7b: {  	_ =	shalt  }
0x7c: {  	_ =	shalt  }
0x7d: {  	_ =	shalt  }
0x7e: {  	_ =	shalt  }
0x7f: {  	_ =	shalt  }
0x80: {  	_ =	shalt  }
0x81: {  	_ =	shalt  }
0x82: {  	_ =	shalt  }
0x83: {  	_ =	shalt  }
0x84: {  	_ =	shalt  }
0x85: {  	_ =	shalt  }
0x86: {  	_ =	shalt  }
0x87: {  	_ =	shalt  }
.Lfunc_end0:
.L_simem_size_0:
called_computation.3_lowered:
.L_overlay_start_0:
0x88: {  	s2 =	sld [smem:$0x3FD9]  }
0x89: {  	s3 =	sld [smem:$0x3FFE];
	_ =	sdelay $0x1  }
0x8a: {  	s1 =	srdreg.scid  }
0x8b: {  	s0 =	sand.u32 $0x1, s1  }
0x8c: {  	s17 =	sshll.u32 s0, $0xA;
	s2 =	sadd.s32 s3, s2  }
0x8d: {  	s2 =	sadd.s32 s2, s17  }
0x8e: {  	[smem:$0x3FC4] =	sst s2  }
0x8f: {  	_ = 	snop  }
0x90: {  	s18 =	sld [smem:$0x3FC9]  }
0x91: {  	s4 =	sld [smem:$0x3FC8];
	(tm) =	ssettm $0x1  }
0x92: {  	s19 =	sld [smem:$0x3FFB];
	_ =	sdelay $0x3  }
0x93: {  	_ =	strace s19  }
0x94: {  	s2 =	sld [smem:$0x3FFC];
	_ =	sdelay $0x3  }
0x95: {  	_ =	strace s2  }
0x96: {  	s2 =	sld [smem:$0x3FFD];
	_ =	sdelay $0x3  }
0x97: {  	_ =	strace s2  }
0x98: {  	_ =	strace $0x8FFFFFFF  }
0x99: {  	s20 =	sld [smem:$0x3FDB];
	_ =	sdelay $0x1  }
0x9a: {  	s5 =	simm.s32 $_scs_section_size  }
0x9b: {  	s6 =	simm.s32 $_size__tile_overlayer_lowered;
	s7 =	simm.s32 $_tile_overlayer_lowered  }
0x9c: {  	s8 =	simm.s32 $0x1BFF;
	s21 =	sshll.u32 s7, $0x1;
	s5 =	sadd.s32 s5, s20  }
0x9d: {  	s22 =	simm.s32 $0x0;
	s6 =	sshll.u32 s6, $0x1;
	s7 =	sadd.s32 s21, s5  }
0x9e: {  	[timem:s22], [sflag:s8] =	dma.local [hbm:s7], s6  }
0x9f: {  	_ =	swait.ge [sflag:s8], s6  }
0xa0: {  	s6 =	ssub.s32 $0x0, s6;
	[sflag:s8] =	ssyncset.done $0x0  }
0xa1: {  	[sflag:s8] =	ssyncadd.s32 s6;
	_ =	sdelay $0x1  }
0xa2: {  	s23 =	simm.s32 $0x1B8B  }
0xa3: {  	_ =	swait.ge [sflag:s23], $0x1  }
0xa4: {  	[sflag:s23] =	ssyncset.done $0x0  }
0xa5: {  	[sflag:s23] =	ssyncadd.s32 $0xFFFFFFFF  }
0xa6: {  	s6 =	sld [smem:$0x0]  }
0xa7: {  	s7 =	sand.u32 $0xFFFFFFFE, s1  }
0xa8: {  	p0 =	sne.s32 s1, s7  }
0xa9: {  	s7 =	sshll.u32 @p0 s7, $0xE  }
0xaa: {  	s7 =	sadd.s32 @p0 $0x11B8D, s7;
	s8 =	sshll.u32 @p0 s6, $0x11  }
0xab: {  	s7 =	sor.u32 @p0 s8, s7  }
0xac: {  	[sflag:s7] =	ssyncadd.remote.s32 @p0 $0x1;
	_ =	sdelay $0x1  }
0xad: {  	s7 =	simm.s32 @p0 $0x1B8D  }
0xae: {  	_ =	swait.eq @p0 [sflag:s7], $0x1  }
0xaf: {  	[sflag:s7] =	ssyncadd.s32 @p0 $0xFFFFFFFF  }
0xb0: {  	s8 =	sshll.u32 @!p0 s1, $0xE  }
0xb1: {  	s8 =	sor.u32 @!p0 $0x4000, s8;
	s7 =	simm.s32 @!p0 $0x1B8D  }
0xb2: {  	s6 =	sshll.u32 @!p0 s6, $0x11;
	s8 =	sadd.s32 @!p0 $0x11B8D, s8;
	_ =	swait.eq @!p0 [sflag:s7], $0x1  }
0xb3: {  	s6 =	sor.u32 @!p0 s6, s8;
	[sflag:s7] =	ssyncadd.s32 @!p0 $0xFFFFFFFF  }
0xb4: {  	s25 =	simm.s32 $0x1B8E;
	s24 =	sld [smem:$0x3FFE];
	[sflag:s6] =	ssyncadd.remote.s32 @!p0 $0x1  }
0xb5: {  	s26 =	simm.s32 $execute0_lowered;
	[smem:$0x3FD2] =	sst s25  }
0xb6: {  	s7 =	sshll.u32 s26, $0x1;
	_ =	strace $0x8000004F;
	[dreg:$0x1] =	wrdreg $0xFFFFFFFF  }
0xb7: {  	s28 =	simm.s32 $_size_execute0_lowered;
	s5 =	sadd.s32 s5, s7;
	[dreg:$0x0] =	wrdreg $0x0  }
0xb8: {  	s7 =	sshll.u32 s28, $0x1;
	[dreg:$0x2] =	wrdreg s5  }
0xb9: {  	[dreg:$0x3] =	wrdreg s7  }
0xba: {  	[dreg:$0x4] =	wrdreg $0xC0  }
0xbb: {  	_ =	task [dreg:s22], $0x5FFFF  }
0xbc: {  	[dreg:$0x1] =	wrdreg $0xFFFFFFFF  }
0xbd: {  	[dreg:$0x0] =	wrdreg $0x60  }
0xbe: {  	[dreg:$0x2] =	wrdreg s4  }
0xbf: {  	[dreg:$0x3] =	wrdreg s18  }
0xc0: {  	[dreg:$0x4] =	wrdreg s24  }
0xc1: {  	[dreg:$0x5] =	wrdreg $0xC  }
0xc2: {  	_ =	task.clear_ibuf [dreg:s22], $0x6FFFF;
	_ =	strace $0x9000004F  }
0xc3: {  	s29 =	simm.s32 $0xC;
	_ =	strace $0x80000051  }
0xc4: {  	_ =	swait.ge [sflag:s29], $0x1  }
0xc5: {  	[sflag:s29] =	ssyncadd.s32 $0xFFFFFFFF  }
0xc6: {  	_ =	strace $0x90000051  }
0xc7: {  	_ =	sfence  }
0xc8: {  	s30 =	sld [smem:$0x0];
	_ =	sdelay $0x2  }
0xc9: {  	s31 =	sshll.u32 s1, $0xD;
	s1 =	sshrl.u32 s1, $0x2  }
0xca: {  	s4 =	sand.u32 $0x4000, s31;
	s1 =	sadd.s32 s1, s30  }
0xcb: {  	s0 =	sor.u32 s4, s0;
	s1 =	sshll.u32 s1, $0x11  }
0xcc: {  	s0 =	sor.u32 s1, s0  }
0xcd: {  	s0 =	sadd.s32 $0x8F2B, s0  }
0xce: {  	[sflag:s0] =	ssyncadd.remote.s32 $0x1  }
0xcf: {  	_ =	sfence.sel $0xFFFF  }
0xd0: {  	[dreg:$0x0] =	wrdreg $0xFFFFFFFF;
	(pc) =	sbr.abs _section_cstart, $3  }
0xd1: {  	[dreg:$0x1] =	wrdreg $0xFFFFFFFF  }
0xd2: {  	_ =	task.clear_ibuf [dreg:s22], $0x2FFFF;
	_ =	strace $0x9FFFFFFF  }
0xd3: {  	(tm) =	ssettm $0x7FFFFFFF  }
tec
execute0_lowered:
.L_overlay_start_1:
0x0: {  	(tag) =	ssettag $0x1  }
0x1: {  	s1 =	rddreg [dreg:$0x0]  }
0x2: {  	s6 =	rddreg [dreg:$0x1]  }
0x3: {  	s5 =	rddreg [dreg:$0x2]  }
0x4: {  	s0 =	rddreg [dreg:$0x3];
	s3 =	simm.s32 $0x0;
	s4 =	srdreg.scid  }
0x5: {  	s2 =	stileid.u32;
	s17 =	simm.s32 $0x5;
	[smem:$0x7FF] =	sst s3  }
0x6: {  	s10 =	sand.u32 $0x1, s4;
	s23 =	sshll.u32 s2, $0x1;
	s9 =	sshrl.u32 s2, $0x2  }
0x7: {  	s11 =	sadd.s32 $0x259400, s5;
	s29 =	sand.u32 $0x3, s2;
	s4 =	smul.u32 $0xD, s9  }
0x8: {  	_ =	strace $0x80000050;
	s7 =	ssub.s32 $0x2, s10;
	s14 =	smul.u32 $0x1A00, s9  }
0x9: {  	s8 =	sand.u32 $0x6, s23;
	s28 =	smul.u32 $0x34000, s9;
	s30 =	sshll.u32 s29, $0xC  }
0xa: {  	s16 =	sshll.u32 s10, $0xB;
	s24 =	sshrl.u32 s7, $0x1;
	s12 =	sor.u32 s10, s8  }
0xb: {  	s25 =	smin.u32 s4, $0x25;
	s13 =	sshll.u32 s12, $0x7;
	s15 =	ssub.s32 s7, s24  }
0xc: {  	s8 =	sshrl.u32 s14, $0x2;
	s18 =	sadd.s32 $0x1, s4;
	s12 =	sshll.u32 s12, $0xB  }
0xd: {  	s19 =	sadd.s32 $0xC, s4;
	s14 =	simm.s32 $0x400;
	s5 =	sadd.s32 $0xD, s25  }
0xe: {  	s26 =	sadd.s32 s13, s6;
	s9 =	sshll.u32 s18, $0x7;
	s12 =	sadd.s32 s11, s12  }
0xf: {  	s11 =	sadd.s32 s28, s11;
	s31 =	sshll.u32 s19, $0xE;
	s6 =	sadd.s32 $0xC00, s26  }
0x10: {  	s7 =	sadd.s32 $0x6C00, s26;
	s13 =	sadd.s32 s30, s11;
	s10 =	sadd.s32 s31, s12  }
0x11: {  	s11 =	smax.u32 s15, $0x1;
	p0 =	sge.u32 s4, s5;
	s15 =	simm.s32 $0x8000  }
0x12: {  	p1 =	sge.u32 s18, s5;
	p2 =	sge.u32 s19, s5;
	s18 =	simm.s32 $0x0  }
0x13: {  	s12 =	sadd.s32 s16, s13;
	s13 =	sadd.s32 $0x180, s8;
	s16 =	simm.s32 $0x1800  }
.LBB2_1:
0x14: {  	[tilespmem:s3], [sflag:$0x5] =	stream.strided.gather [hbm4b:s6+s14], $0x1800, s15, s14, $0x38;
	[tilespmem:$0x9C00] =	vst v63  }
0x15: {  	_ = 	snop  }
0x16: {  	[tilespmem:s16], [sflag:$0x5] =	stream.linear.gather [hbm4b:s7+s3], $0x100, $0x38;
	[tilespmem:$0x9C00] =	vst v63  }
0x17: {  	_ =	swait.ge [sflag:s17], $0x1900  }
0x18: {  	s19 =	simm.s32 @!p0 $0x80;
	s29 =	sadd.s32 $0x0, s4;
	[sflag:s17] =	ssyncset.done $0x0  }
0x19: {  	s20 =	simm.s32 @!p0 $0x1C00;
	p4 =	sge.u32 s29, s5;
	[sflag:s17] =	ssyncadd.s32 $0xFFFFE700  }
0x1a: {  	[tilespmem:s20], [sflag:$0x1] =	stream.indirect.gather @!p0 [hbm4b:s1+s19], $0x80, s8, s19, $0xb8;
	[tilespmem:$0x9C00] =	vst v63  }
0x1b: {  	s21 =	sadd.s32 $0x1, s29;
	s19 =	simm.s32 @!p1 $0x80;
	s20 =	simm.s32 @!p1 $0x5C00  }
0x1c: {  	[tilespmem:s20], [sflag:$0x2] =	stream.indirect.gather @!p1 [hbm4b:s1+s19], $0x80, s9, s19, $0xb8;
	[tilespmem:$0x9C00] =	vst v63  }
0x1d: {  	s30 =	sadd.s32 $0x3, s29;
	s31 =	sadd.s32 $0x2, s29;
	s19 =	simm.s32 @!p4 $0x1  }
0x1e: {  	s22 =	simm.s32 @!p4 $0x1C00;
	p3 =	sge.u32 s21, s5;
	_ =	swait.ge @!p4 [sflag:s19], $0x4000  }
0x1f: {  	s25 =	simm.s32 @!p4 $0x3;
	p5 =	sge.u32 s31, s5;
	[sflag:s19] =	ssyncset.done @!p4 $0x0  }
0x20: {  	s21 =	simm.s32 @!p3 $0x2;
	[sflag:s19] =	ssyncadd.s32 @!p4 $0xFFFFC000;
	s19 =	simm.s32 @!p4 $0x0  }
0x21: {  	[hbm4b:s12+s19] =	stream.linear.scatter @!p4 [tilespmem:s22], [sflag:$0x3], $0x4000, $0x38;
	[tilespmem:$0x9C00] =	vst v63  }
0x22: {  	p6 =	sge.u32 s30, s5;
	s23 =	simm.s32 @!p3 $0x0;
	_ =	swait.ge @!p3 [sflag:s21], $0x4000  }
0x23: {  	s24 =	simm.s32 @!p3 $0x5C00;
	s26 =	sadd.s32 @!p5 $0xFFFFFF80, s13;
	[sflag:s21] =	ssyncset.done @!p3 $0x0  }
0x24: {  	s28 =	simm.s32 @!p5 $0x80;
	[sflag:s21] =	ssyncadd.s32 @!p3 $0xFFFFC000;
	s21 =	sadd.s32 @!p3 $0x4000, s12  }
0x25: {  	[hbm4b:s21+s23] =	stream.linear.scatter @!p3 [tilespmem:s24], [sflag:$0x4], $0x4000, $0x38;
	[tilespmem:$0x9C00] =	vst v63  }
0x26: {  	s19 =	sadd.s32 $0x2, s4;
	s22 =	sadd.s32 $0x8000, s12;
	_ =	swait.ge @!p4 [sflag:s25], $0x4000  }
0x27: {  	s20 =	sadd.s32 $0x3, s19;
	s23 =	simm.s32 $0x4;
	[sflag:s25] =	ssyncset.done @!p4 $0x0  }
0x28: {  	s24 =	simm.s32 @!p5 $0x1C00;
	[sflag:s25] =	ssyncadd.s32 @!p4 $0xFFFFC000;
	s25 =	simm.s32 @!p3 $0x4  }
0x29: {  	[tilespmem:s24], [sflag:$0x1] =	stream.indirect.gather @!p5 [hbm4b:s1+s28], $0x80, s26, s28, $0xb8;
	[tilespmem:$0x9C00] =	vst v63  }
0x2a: {  	s21 =	sadd.s32 $0x100, s13;
	p4 =	sge.u32 s19, s5;
	_ =	swait.ge @!p3 [sflag:s25], $0x4000  }
0x2b: {  	s26 =	simm.s32 @!p6 $0x80;
	s24 =	smov.u32 s13;
	[sflag:s25] =	ssyncset.done @!p3 $0x0  }
.LBB2_2:
0x2c: {  	s28 =	sadd.s32 s23, s4;
	s23 =	sadd.s32 $0x2, s23;
	[sflag:s25] =	ssyncadd.s32 @!p3 $0xFFFFC000  }
0x2d: {  	s25 =	simm.s32 @!p4 $0x1;
	s29 =	simm.s32 @!p6 $0x5C00;
	p5 =	sne.s32 s23, $0xC  }
0x2e: {  	[tilespmem:s29], [sflag:$0x2] =	stream.indirect.gather @!p6 [hbm4b:s1+s26], $0x80, s24, s26, $0xb8;
	[tilespmem:$0x9C00] =	vst v63  }
0x2f: {  	s24 =	sadd.s32 $0x3, s28;
	s26 =	sadd.s32 $0x1, s19;
	_ =	swait.ge @!p4 [sflag:s25], $0x4000  }
0x30: {  	s29 =	simm.s32 @!p4 $0x1C00;
	p3 =	sge.u32 s26, s5;
	[sflag:s25] =	ssyncset.done @!p4 $0x0  }
0x31: {  	s26 =	simm.s32 @!p3 $0x2;
	[sflag:s25] =	ssyncadd.s32 @!p4 $0xFFFFC000;
	s25 =	simm.s32 @!p4 $0x0  }
0x32: {  	[hbm4b:s22+s25] =	stream.linear.scatter @!p4 [tilespmem:s29], [sflag:$0x3], $0x4000, $0x38;
	[tilespmem:$0x9C00] =	vst v63  }
0x33: {  	s29 =	smov.u32 s20;
	s20 =	smov.u32 s24;
	_ =	swait.ge @!p3 [sflag:s26], $0x4000  }
0x34: {  	s24 =	simm.s32 @!p3 $0x0;
	s25 =	simm.s32 @!p3 $0x5C00;
	[sflag:s26] =	ssyncset.done @!p3 $0x0  }
0x35: {  	s30 =	simm.s32 @!p4 $0x3;
	[sflag:s26] =	ssyncadd.s32 @!p3 $0xFFFFC000;
	s26 =	sadd.s32 @!p3 $0x4000, s22  }
0x36: {  	[hbm4b:s26+s24] =	stream.linear.scatter @!p3 [tilespmem:s25], [sflag:$0x4], $0x4000, $0x38;
	[tilespmem:$0x9C00] =	vst v63  }
0x37: {  	s24 =	sadd.s32 $0x2, s19  }
0x38: {  	s19 =	smov.u32 s28;
	s25 =	simm.s32 @!p3 $0x4;
	_ =	swait.ge @!p4 [sflag:s30], $0x4000  }
0x39: {  	p6 =	sge.u32 s24, s5;
	s24 =	smov.u32 s21;
	[sflag:s30] =	ssyncset.done @!p4 $0x0  }
.Ltmp0:
0x3a: {  	s26 =	simm.s32 @!p6 $0x1C00;
	[sflag:s30] =	ssyncadd.s32 @!p4 $0xFFFFC000;
	(pc) =	sbr.rel @p5 .LBB2_2-.Ltmp0, $4  }
0x3b: {  	s21 =	sadd.s32 $0x100, s21;
	s28 =	sadd.s32 @!p6 $0xFFFFFF80, s24;
	s30 =	simm.s32 @!p6 $0x80  }
0x3c: {  	[tilespmem:s26], [sflag:$0x1] =	stream.indirect.gather @!p6 [hbm4b:s1+s30], $0x80, s28, s30, $0xb8;
	[tilespmem:$0x9C00] =	vst v63  }
0x3d: {  	s22 =	sadd.s32 $0x8000, s22;
	p6 =	sge.u32 s29, s5;
	_ =	swait.ge @!p3 [sflag:s25], $0x4000  }
0x3e: {  	p4 =	sge.u32 s19, s5;
	s26 =	simm.s32 @!p6 $0x80;
	[sflag:s25] =	ssyncset.done @!p3 $0x0  }
0x3f: {  	[sflag:s25] =	ssyncadd.s32 @!p3 $0xFFFFC000;
	s23 =	simm.s32 @!p4 $0x1;
	s25 =	simm.s32 @!p6 $0x5C00  }
0x40: {  	[tilespmem:s25], [sflag:$0x2] =	stream.indirect.gather @!p6 [hbm4b:s1+s26], $0x80, s24, s26, $0xb8;
	[tilespmem:$0x9C00] =	vst v63  }
0x41: {  	s30 =	sadd.s32 $0x1, s19;
	_ =	swait.ge @!p4 [sflag:s23], $0x4000  }
0x42: {  	s25 =	simm.s32 @!p4 $0x1C00;
	p3 =	sge.u32 s30, s5;
	[sflag:s23] =	ssyncset.done @!p4 $0x0  }
0x43: {  	s24 =	simm.s32 @!p3 $0x2;
	[sflag:s23] =	ssyncadd.s32 @!p4 $0xFFFFC000;
	s23 =	simm.s32 @!p4 $0x0  }
0x44: {  	[hbm4b:s22+s23] =	stream.linear.scatter @!p4 [tilespmem:s25], [sflag:$0x3], $0x4000, $0x38;
	[tilespmem:$0x9C00] =	vst v63  }
0x45: {  	s31 =	sadd.s32 $0x2, s19;
	_ =	swait.ge @!p3 [sflag:s24], $0x4000  }
0x46: {  	s23 =	simm.s32 @!p3 $0x0;
	s25 =	simm.s32 @!p3 $0x5C00;
	[sflag:s24] =	ssyncset.done @!p3 $0x0  }
0x47: {  	s22 =	sadd.s32 @!p3 $0x4000, s22;
	[sflag:s24] =	ssyncadd.s32 @!p3 $0xFFFFC000;
	s24 =	simm.s32 @!p4 $0x3  }
0x48: {  	[hbm4b:s22+s23] =	stream.linear.scatter @!p3 [tilespmem:s25], [sflag:$0x4], $0x4000, $0x38;
	[tilespmem:$0x9C00] =	vst v63  }
0x49: {  	p5 =	sge.u32 s31, s5;
	_ =	swait.ge @!p4 [sflag:s24], $0x4000  }
0x4a: {  	s19 =	simm.s32 @!p5 $0x1C00;
	s22 =	simm.s32 @!p3 $0x4;
	[sflag:s24] =	ssyncset.done @!p4 $0x0  }
0x4b: {  	s23 =	sadd.s32 @!p5 $0xFFFFFF80, s21;
	[sflag:s24] =	ssyncadd.s32 @!p4 $0xFFFFC000;
	s24 =	simm.s32 @!p5 $0x80  }
0x4c: {  	[tilespmem:s19], [sflag:$0x1] =	stream.indirect.gather @!p5 [hbm4b:s1+s24], $0x80, s23, s24, $0xb8;
	[tilespmem:$0x9C00] =	vst v63  }
0x4d: {  	_ =	swait.ge @!p3 [sflag:s22], $0x4000  }
0x4e: {  	p4 =	sge.u32 s20, s5;
	[sflag:s22] =	ssyncset.done @!p3 $0x0  }
0x4f: {  	s19 =	simm.s32 @!p4 $0x80;
	s20 =	simm.s32 @!p4 $0x5C00;
	[sflag:s22] =	ssyncadd.s32 @!p3 $0xFFFFC000  }
0x50: {  	[tilespmem:s20], [sflag:$0x2] =	stream.indirect.gather @!p4 [hbm4b:s1+s19], $0x80, s21, s19, $0xb8;
	[tilespmem:$0x9C00] =	vst v63  }
0x51: {  	s19 =	simm.s32 @!p2 $0x1  }
0x52: {  	s18 =	sadd.s32 $0x1, s18;
	_ =	swait.ge @!p2 [sflag:s19], $0x4000  }
0x53: {  	p3 =	sne.s32 s18, s11;
	[sflag:s19] =	ssyncset.done @!p2 $0x0  }
0x54: {  	s20 =	simm.s32 @!p2 $0x1C00;
	[sflag:s19] =	ssyncadd.s32 @!p2 $0xFFFFC000;
	s19 =	simm.s32 @!p2 $0x0  }
0x55: {  	[hbm4b:s10+s19] =	stream.linear.scatter @!p2 [tilespmem:s20], [sflag:$0x3], $0x4000, $0x38;
	[tilespmem:$0x9C00] =	vst v63  }
.Ltmp1:
0x56: {  	_ = 	snop;
	(pc) =	sbr.rel @p3 .LBB2_1-.Ltmp1, $4  }
0x57: {  	s19 =	simm.s32 @!p2 $0x3  }
0x58: {  	_ =	swait.ge @!p2 [sflag:s19], $0x4000  }
0x59: {  	[sflag:s19] =	ssyncset.done @!p2 $0x0  }
0x5a: {  	[sflag:s19] =	ssyncadd.s32 @!p2 $0xFFFFC000  }
0x5b: {  	_ =	sfence.sel $0x180000  }
0x5c: {  	[bflag:$0x0] =	sbarrier.arrive $0xFFFF  }
0x5d: {  	p0 =	sne.s32 s2, $0x0;
	_ =	strace $0x90000050  }
0x5e: {  	s0 =	sadd.s32 @!p0 $0x100000, s0;
	[bflag:$0x2] =	sbarrier.arrive $0xFFFF  }
0x5f: {  	[sflag:s0] =	ssyncadd.tile.s32 @!p0 $0x1;
	_ =	shalt  }
.Lfunc_end2:
_tile_overlayer_lowered:
.L_overlay_start_2:
0x60: {  	(tag) =	ssettag $0x2  }
0x61: {  	s0 =	rddreg [dreg:$0x0];
	s2 =	stileid.u32  }
0x62: {  	s1 =	rddreg [dreg:$0x1];
	p0 =	sne.s32 s2, $0x0  }
0x63: {  	s3 =	rddreg [dreg:$0x2];
	[bflag:$0x3] =	sbarrier.arrive $0xFFFF;
	s2 =	simm.s32 @!p0 $0x1C05  }
0x64: {  	[timem:s3], [sflag:s2] =	dma.local @!p0 [hbm:s0], s1  }
0x65: {  	s0 =	simm.s32 @!p0 $0x5  }
0x66: {  	_ =	swait.ge @!p0 [sflag:s0], s1  }
0x67: {  	s1 =	ssub.s32 @!p0 $0x0, s1;
	[sflag:s0] =	ssyncset.done @!p0 $0x0  }
0x68: {  	[sflag:s0] =	ssyncadd.s32 @!p0 s1  }
0x69: {  	[bflag:$0x3] =	sbarrier.arrive $0xFFFF  }
0x6a: {  	_ =	shalt  }

</sc_bundles>
